<compile_context>
chip_gen: v7x
topology: tpu7x:2x2x1
jax: 0.10.2.dev20260603
libtpu: 0.0.44.dev20260713+nightly
codegen_flags: <defaults>
</compile_context>

<pallas_src>
import jax
import jax.numpy as jnp
from jax import lax
from jax.experimental import pallas as pl
from jax.experimental.pallas import tpu as pltpu
from jax.experimental.pallas import tpu_sc as plsc

N = 50000
E = 1600000
F = 1433
H0, D0 = 8, 8
H1, D1 = 1, 7
NC, NS = 2, 16
CB = 80
BR = 400

_MESH = plsc.VectorSubcoreMesh(core_axis_name="c", subcore_axis_name="s")
_SC_PARAMS = pltpu.CompilerParams(
    needs_layout_passes=False, use_tc_tiling_on_sc=False)


def _tc1_body(feat_ref, w0_ref, al_ref, ar_ref, h2_ref, elr_ref):
    h = jnp.dot(feat_ref[...], w0_ref[...], preferred_element_type=jnp.float32)
    h2_ref[0] = h[:, :32]
    h2_ref[1] = h[:, 32:]
    el = jnp.dot(h, al_ref[...], preferred_element_type=jnp.float32)
    er = jnp.dot(h, ar_ref[...], preferred_element_type=jnp.float32)
    elr_ref[...] = jnp.concatenate([el, er], axis=1)


def _tc1(feat, w0, al, ar):
    return pl.pallas_call(
        _tc1_body,
        grid=(N // BR,),
        in_specs=[
            pl.BlockSpec((BR, F), lambda i: (i, 0)),
            pl.BlockSpec((F, H0 * D0), lambda i: (0, 0)),
            pl.BlockSpec((H0 * D0, H0), lambda i: (0, 0)),
            pl.BlockSpec((H0 * D0, H0), lambda i: (0, 0)),
        ],
        out_specs=[
            pl.BlockSpec((2, BR, 32), lambda i: (0, i, 0)),
            pl.BlockSpec((BR, 16), lambda i: (i, 0)),
        ],
        out_shape=[
            jax.ShapeDtypeStruct((2, N, 32), jnp.float32),
            jax.ShapeDtypeStruct((N, 16), jnp.float32),
        ],
    )(feat, w0, al, ar)


def _sc1_body(src_ref, dst_ref, elr_ref, z16_ref, ex_ref, spart_ref,
              idx_s, idx_d, rows_s, rows_d, exbuf, sacc, sem1, sem2):
    c = lax.axis_index("c")
    s = lax.axis_index("s")
    wid = c * NS + s
    per_w = E // (NC * NS)
    nchunk = per_w // CB

    @pl.when(s == 0)
    def _():
        pltpu.sync_copy(z16_ref, sacc)

    plsc.subcore_barrier()

    lanes = lax.iota(jnp.int32, 16)
    perm = (lanes + 8) % 16

    def chunk(i, carry):
        base = wid * per_w + i * CB
        pltpu.sync_copy(src_ref.at[pl.ds(base, CB)], idx_s)
        pltpu.sync_copy(dst_ref.at[pl.ds(base, CB)], idx_d)
        pltpu.async_copy(elr_ref.at[idx_s], rows_s, sem1).wait()
        pltpu.async_copy(elr_ref.at[idx_d], rows_d, sem2).wait()

        def edge(e, carry2):
            ef = jnp.full((16,), e, jnp.int32)
            vs = rows_s[e, :]
            vrot = plsc.load_gather(rows_d, [ef, perm])
            v = vs + vrot
            v = jnp.where(v > 0, v, 0.2 * v)
            exbuf[e, :] = jnp.exp(v)
            return carry2

        lax.fori_loop(0, CB, edge, 0)
        pltpu.sync_copy(exbuf, sacc.at[idx_d], add=True)
        pltpu.sync_copy(exbuf, ex_ref.at[pl.ds(base, CB)])
        return carry

    lax.fori_loop(0, nchunk, chunk, 0)
    plsc.subcore_barrier()

    @pl.when(s == 0)
    def _():
        pltpu.sync_copy(sacc, spart_ref.at[c])


def _sc1(src, dst, elr, z16):
    f = pl.kernel(
        _sc1_body,
        out_type=[
            jax.ShapeDtypeStruct((E, 16), jnp.float32),
            jax.ShapeDtypeStruct((2, N, 16), jnp.float32),
        ],
        mesh=_MESH,
        compiler_params=_SC_PARAMS,
        scratch_types=[
            pltpu.VMEM((CB,), jnp.int32),
            pltpu.VMEM((CB,), jnp.int32),
            pltpu.VMEM((CB, 16), jnp.float32),
            pltpu.VMEM((CB, 16), jnp.float32),
            pltpu.VMEM((CB, 16), jnp.float32),
            pltpu.VMEM_SHARED((N, 16), jnp.float32),
            pltpu.SemaphoreType.DMA,
            pltpu.SemaphoreType.DMA,
        ],
    )
    return f(src, dst, elr, z16)


def _sc2_body(src_ref, dst_ref, h2_ref, ex_ref, z32_ref, mpart_ref,
              idx_s, idx_g, idx_d, hrows, exbuf, msgbuf, macc, sem1):
    c = lax.axis_index("c")
    s = lax.axis_index("s")
    per_s = E // NS
    nchunk = per_s // CB

    @pl.when(s == 0)
    def _():
        pltpu.sync_copy(z32_ref, macc)

    plsc.subcore_barrier()

    heads = lax.iota(jnp.int32, 16) // 8
    col0 = heads + 4 * c
    col1 = col0 + 2
    row_off = c * N

    def chunk(i, carry):
        base = s * per_s + i * CB
        pltpu.sync_copy(src_ref.at[pl.ds(base, CB)], idx_s)
        pltpu.sync_copy(dst_ref.at[pl.ds(base, CB)], idx_d)
        for j in range(CB // 16):
            idx_g[pl.ds(j * 16, 16)] = idx_s[pl.ds(j * 16, 16)] + row_off
        pltpu.async_copy(h2_ref.at[idx_g], hrows, sem1).wait()
        pltpu.sync_copy(ex_ref.at[pl.ds(base, CB)], exbuf)

        def edge(e, carry2):
            ef = jnp.full((16,), e, jnp.int32)
            ex0 = plsc.load_gather(exbuf, [ef, col0])
            ex1 = plsc.load_gather(exbuf, [ef, col1])
            msgbuf[e, pl.ds(0, 16)] = hrows[e, pl.ds(0, 16)] * ex0
            msgbuf[e, pl.ds(16, 16)] = hrows[e, pl.ds(16, 16)] * ex1
            return carry2

        lax.fori_loop(0, CB, edge, 0)
        pltpu.sync_copy(msgbuf, macc.at[idx_d], add=True)
        return carry

    lax.fori_loop(0, nchunk, chunk, 0)
    plsc.subcore_barrier()

    @pl.when(s == 0)
    def _():
        pltpu.sync_copy(macc, mpart_ref.at[c])


def _sc2(src, dst, h2f, ex, z32):
    f = pl.kernel(
        _sc2_body,
        out_type=jax.ShapeDtypeStruct((2, N, 32), jnp.float32),
        mesh=_MESH,
        compiler_params=_SC_PARAMS,
        scratch_types=[
            pltpu.VMEM((CB,), jnp.int32),
            pltpu.VMEM((CB,), jnp.int32),
            pltpu.VMEM((CB,), jnp.int32),
            pltpu.VMEM((CB, 32), jnp.float32),
            pltpu.VMEM((CB, 16), jnp.float32),
            pltpu.VMEM((CB, 32), jnp.float32),
            pltpu.VMEM_SHARED((N, 32), jnp.float32),
            pltpu.SemaphoreType.DMA,
        ],
    )
    return f(src, dst, h2f, ex, z32)


def _tc2_body(mp_ref, sp_ref, w1_ref, al1_ref, ar1_ref, r_ref, t1_ref):
    x = jnp.concatenate([mp_ref[0], mp_ref[1]], axis=1)
    s8 = sp_ref[0, :, 0:8] + sp_ref[1, :, 0:8]
    srep = jnp.dot(s8, r_ref[...], preferred_element_type=jnp.float32)
    out0 = x / (srep + 1e-9)
    out0 = jnp.where(out0 > 0, out0, jnp.exp(out0) - 1.0)
    h1 = jnp.dot(out0, w1_ref[...], preferred_element_type=jnp.float32)
    el1 = jnp.sum(h1 * al1_ref[...], axis=1, keepdims=True)
    er1 = jnp.sum(h1 * ar1_ref[...], axis=1, keepdims=True)
    pad = jnp.zeros((h1.shape[0], 7), jnp.float32)
    t1_ref[...] = jnp.concatenate([h1, el1, er1, pad], axis=1)


def _tc2(m_part, s_part, w1, al1, ar1, r):
    return pl.pallas_call(
        _tc2_body,
        grid=(N // BR,),
        in_specs=[
            pl.BlockSpec((2, BR, 32), lambda i: (0, i, 0)),
            pl.BlockSpec((2, BR, 16), lambda i: (0, i, 0)),
            pl.BlockSpec((H0 * D0, H1 * D1), lambda i: (0, 0)),
            pl.BlockSpec((H1, D1), lambda i: (0, 0)),
            pl.BlockSpec((H1, D1), lambda i: (0, 0)),
            pl.BlockSpec((H0, H0 * D0), lambda i: (0, 0)),
        ],
        out_specs=pl.BlockSpec((BR, 16), lambda i: (i, 0)),
        out_shape=jax.ShapeDtypeStruct((N, 16), jnp.float32),
    )(m_part, s_part, w1, al1, ar1, r)


def _sc3_body(src_ref, dst_ref, t1_ref, z16_ref, apart_ref,
              idx_s, idx_d, rows_s, rows_d, msgbuf, aacc, sem1, sem2):
    c = lax.axis_index("c")
    s = lax.axis_index("s")
    wid = c * NS + s
    per_w = E // (NC * NS)
    nchunk = per_w // CB

    @pl.when(s == 0)
    def _():
        pltpu.sync_copy(z16_ref, aacc)

    plsc.subcore_barrier()

    lanes = lax.iota(jnp.int32, 16)
    c7 = jnp.full((16,), 7, jnp.int32)
    c8 = jnp.full((16,), 8, jnp.int32)

    def chunk(i, carry):
        base = wid * per_w + i * CB
        pltpu.sync_copy(src_ref.at[pl.ds(base, CB)], idx_s)
        pltpu.sync_copy(dst_ref.at[pl.ds(base, CB)], idx_d)
        pltpu.async_copy(t1_ref.at[idx_s], rows_s, sem1).wait()
        pltpu.async_copy(t1_ref.at[idx_d], rows_d, sem2).wait()

        def edge(e, carry2):
            ef = jnp.full((16,), e, jnp.int32)
            vs = rows_s[e, :]
            elb = plsc.load_gather(rows_s, [ef, c7])
            erb = plsc.load_gather(rows_d, [ef, c8])
            v = elb + erb
            v = jnp.where(v > 0, v, 0.2 * v)
            exv = jnp.exp(v)
            contrib = jnp.where(lanes < 7, vs * exv,
                                jnp.where(lanes == 7, exv, 0.0))
            msgbuf[e, :] = contrib
            return carry2

        lax.fori_loop(0, CB, edge, 0)
        pltpu.sync_copy(msgbuf, aacc.at[idx_d], add=True)
        return carry

    lax.fori_loop(0, nchunk, chunk, 0)
    plsc.subcore_barrier()

    @pl.when(s == 0)
    def _():
        pltpu.sync_copy(aacc, apart_ref.at[c])


def _sc3(src, dst, t1, z16):
    f = pl.kernel(
        _sc3_body,
        out_type=jax.ShapeDtypeStruct((2, N, 16), jnp.float32),
        mesh=_MESH,
        compiler_params=_SC_PARAMS,
        scratch_types=[
            pltpu.VMEM((CB,), jnp.int32),
            pltpu.VMEM((CB,), jnp.int32),
            pltpu.VMEM((CB, 16), jnp.float32),
            pltpu.VMEM((CB, 16), jnp.float32),
            pltpu.VMEM((CB, 16), jnp.float32),
            pltpu.VMEM_SHARED((N, 16), jnp.float32),
            pltpu.SemaphoreType.DMA,
            pltpu.SemaphoreType.DMA,
        ],
    )
    return f(src, dst, t1, z16)


def _tc3_body(ap_ref, out_ref):
    a = ap_ref[0] + ap_ref[1]
    out_ref[...] = a[:, 0:7] / (a[:, 7:8] + 1e-9)


def _tc3(a_part):
    return pl.pallas_call(
        _tc3_body,
        grid=(N // BR,),
        in_specs=[pl.BlockSpec((2, BR, 16), lambda i: (0, i, 0))],
        out_specs=pl.BlockSpec((BR, D1), lambda i: (i, 0)),
        out_shape=jax.ShapeDtypeStruct((N, D1), jnp.float32),
    )(a_part)


def kernel(edge_index, feat, W0, attn_l0, attn_r0, W1, attn_l1, attn_r1):
    src = edge_index[0].astype(jnp.int32)
    dst = edge_index[1].astype(jnp.int32)

    eye = jnp.eye(H0, dtype=jnp.float32)
    a_l = (attn_l0[:, :, None] * eye[:, None, :]).reshape(H0 * D0, H0)
    a_r = (attn_r0[:, :, None] * eye[:, None, :]).reshape(H0 * D0, H0)
    rrep = jnp.kron(eye, jnp.ones((1, D0), jnp.float32))

    z16 = jnp.zeros((N, 16), jnp.float32)
    z32 = jnp.zeros((N, 32), jnp.float32)

    h2, elr = _tc1(feat, W0, a_l, a_r)
    h2f = h2.reshape(2 * N, 32)

    ex, s_part = _sc1(src, dst, elr, z16)
    m_part = _sc2(src, dst, h2f, ex, z32)
    t1 = _tc2(m_part, s_part, W1, attn_l1, attn_r1, rrep)
    a_part = _sc3(src, dst, t1, z16)
    return _tc3(a_part)

# --- scband reference (transcript-rebuilt; emitter-appended) ---
"""Pipeline reference for scband-model-83786222010693 (READ-ONLY COPY).

The authoritative reference and input builder live on the scoring server;
editing this copy changes nothing except your own understanding.
"""

import jax, jax.numpy as jnp
import numpy as np

N_NODES = 50000
N_EDGES = 1600000
IN_FEATS = 1433
H0, D0 = 8, 8
H1, D1 = 1, 7


def _edge_softmax(e, dst, n):
    # e: [E, H], softmax over edges grouped by dst node
    m = jax.ops.segment_max(e, dst, num_segments=n)
    m = jnp.where(jnp.isfinite(m), m, 0.0)
    ex = jnp.exp(e - m[dst])
    s = jax.ops.segment_sum(ex, dst, num_segments=n)
    return ex / (s[dst] + 1e-9)


def _gat_layer(feat, edge_index, W, attn_l, attn_r, heads, out_dim, activation=None):
    n = feat.shape[0]
    h = (feat @ W).reshape(n, heads, out_dim)
    el = (h * attn_l[None, :, :]).sum(-1)  # [N, H]
    er = (h * attn_r[None, :, :]).sum(-1)  # [N, H]
    src = edge_index[0]
    dst = edge_index[1]
    e = jax.nn.leaky_relu(el[src] + er[dst], negative_slope=0.2)  # [E, H]
    a = _edge_softmax(e, dst, n)  # [E, H]
    msg = h[src] * a[:, :, None]  # [E, H, D]
    out = jax.ops.segment_sum(msg, dst, num_segments=n)  # [N, H, D]
    if activation is not None:
        out = activation(out)
    return out


def setup_inputs(seed: int = 0) -> dict:
    key = jax.random.key(seed)
    k1, k2, k3, k4, k5, k6, k7, k8 = jax.random.split(key, 8)
    edge_index = jax.random.randint(k1, (2, N_EDGES), 0, N_NODES, dtype=jnp.int64)
    feat = jax.random.normal(k2, (N_NODES, IN_FEATS), dtype=jnp.float32)
    s0 = 1.0 / np.sqrt(IN_FEATS)
    W0 = jax.random.normal(k3, (IN_FEATS, H0 * D0), dtype=jnp.float32) * s0
    attn_l0 = jax.random.normal(k4, (H0, D0), dtype=jnp.float32) * 0.1
    attn_r0 = jax.random.normal(k5, (H0, D0), dtype=jnp.float32) * 0.1
    s1 = 1.0 / np.sqrt(H0 * D0)
    W1 = jax.random.normal(k6, (H0 * D0, H1 * D1), dtype=jnp.float32) * s1
    attn_l1 = jax.random.normal(k7, (H1, D1), dtype=jnp.float32) * 0.1
    attn_r1 = jax.random.normal(k8, (H1, D1), dtype=jnp.float32) * 0.1
    return {
        "edge_index": edge_index,
        "feat": feat,
        "W0": W0,
        "attn_l0": attn_l0,
        "attn_r0": attn_r0,
        "W1": W1,
        "attn_l1": attn_l1,
        "attn_r1": attn_r1,
    }


def reference(edge_index, feat, W0, attn_l0, attn_r0, W1, attn_l1, attn_r1):
    h = _gat_layer(feat, edge_index, W0, attn_l0, attn_r0, H0, D0, activation=jax.nn.elu)  # [N, 8, 8]
    h = h.reshape(h.shape[0], H0 * D0)  # flatten(-1, -2) -> [N, 64]
    h = _gat_layer(h, edge_index, W1, attn_l1, attn_r1, H1, D1, activation=None)  # [N, 1, 7]
    out = h.mean(-2)  # [N, 7]
    return out

if __name__ == "__main__":
    import jax
    _d = setup_inputs()
    print(jax.jit(kernel)(*tuple(_d.values())))

</pallas_src>

<mosaic_0001>
#map = affine_map<(d0, d1) -> (0)>
#map1 = affine_map<(d0, d1) -> (0, 0)>
#map2 = affine_map<(d0, d1) -> (0, 0, 0)>
module attributes {stable_mosaic.version = 14 : i64} {
  func.func @_sc2_body(%arg0: i32, %arg1: i32, %arg2: memref<1600000xi32, #tpu.memory_space<hbm>>, %arg3: memref<1600000xi32, #tpu.memory_space<hbm>>, %arg4: memref<100000x32xf32, #tpu.memory_space<hbm>>, %arg5: memref<1600000x16xf32, #tpu.memory_space<hbm>>, %arg6: memref<50000x32xf32, #tpu.memory_space<hbm>>, %arg7: memref<2x50000x32xf32, #tpu.memory_space<hbm>>, %arg8: memref<80xi32, #tpu.memory_space<vmem>>, %arg9: memref<80xi32, #tpu.memory_space<vmem>>, %arg10: memref<80xi32, #tpu.memory_space<vmem>>, %arg11: memref<80x32xf32, #tpu.memory_space<vmem>>, %arg12: memref<80x16xf32, #tpu.memory_space<vmem>>, %arg13: memref<80x32xf32, #tpu.memory_space<vmem>>, %arg14: memref<50000x32xf32, #tpu.memory_space<vmem_shared>>, %arg15: memref<!tpu.dma_semaphore, #tpu.memory_space<semaphore_mem>>) attributes {dimension_semantics = [#tpu.dimension_semantics<core_parallel>, #tpu.dimension_semantics<subcore_parallel>], iteration_bounds = array<i64: 2, 16>, scalar_prefetch = 0 : i64, scratch_operands = 8 : i64, tpu.core_type = #tpu.core_type<sc_vector_subcore>, window_params = [{transform_indices = #map}, {transform_indices = #map}, {transform_indices = #map1}, {transform_indices = #map1}, {transform_indices = #map1}, {transform_indices = #map2}]} {
    %eq3A = arith.constant 0 : i32
    %eq3A_0 = arith.cmpi eq, %arg1, %eq3A : i32
    %convert_element_type3A = arith.extui %eq3A_0 : i1 to i32
    %cond3A = arith.constant 0 : i32
    %cond3A_1 = arith.cmpi ne, %convert_element_type3A, %cond3A : i32
    scf.if %cond3A_1 {
      "tpu.region"() ({
        %run_scoped3A = tpu.sem_alloc : memref<!tpu.dma_semaphore, #tpu.memory_space<semaphore_mem>>
        tpu.enqueue_dma source(%arg6 : memref<50000x32xf32, #tpu.memory_space<hbm>>) target(%arg14 : memref<50000x32xf32, #tpu.memory_space<vmem_shared>>) target_semaphore(%run_scoped3A : memref<!tpu.dma_semaphore, #tpu.memory_space<semaphore_mem>>)
        tpu.wait_dma2 semaphore(%run_scoped3A : memref<!tpu.dma_semaphore, #tpu.memory_space<semaphore_mem>>) src(%arg6 : memref<50000x32xf32, #tpu.memory_space<hbm>>) dst(%arg14 : memref<50000x32xf32, #tpu.memory_space<vmem_shared>>)
        tpu.yield
      }) : () -> ()
    } else {
    }
    %barrier3A = arith.constant 0 : index
    tpu.barrier barrier_id(%barrier3A)
    %iota3A = tpu.iota {dimensions = array<i32: 0>} : vector<16xi32>
    %jit3A = arith.constant 8 : i32
    %div3A = vector.broadcast %jit3A : i32 to vector<16xi32>
    %div3A_2 = arith.divsi %iota3A, %div3A : vector<16xi32>
    %sign3A = arith.constant 0 : i32
    %sign3A_3 = vector.broadcast %sign3A : i32 to vector<16xi32>
    %sign3A_4 = arith.cmpi sgt, %iota3A, %sign3A_3 : vector<16xi32>
    %sign3A_5 = arith.extui %sign3A_4 : vector<16xi1> to vector<16xi32>
    %sign3A_6 = arith.constant 0 : i32
    %sign3A_7 = vector.broadcast %sign3A_6 : i32 to vector<16xi32>
    %sign3A_8 = arith.cmpi slt, %iota3A, %sign3A_7 : vector<16xi32>
    %sign3A_9 = arith.extui %sign3A_8 : vector<16xi1> to vector<16xi32>
    %sign3A_10 = arith.subi %sign3A_5, %sign3A_9 : vector<16xi32>
    %sign3A_11 = arith.constant 0 : i32
    %sign3A_12 = arith.cmpi sgt, %jit3A, %sign3A_11 : i32
    %sign3A_13 = arith.extui %sign3A_12 : i1 to i32
    %sign3A_14 = arith.constant 0 : i32
    %sign3A_15 = arith.cmpi slt, %jit3A, %sign3A_14 : i32
    %sign3A_16 = arith.extui %sign3A_15 : i1 to i32
    %sign3A_17 = arith.subi %sign3A_13, %sign3A_16 : i32
    %ne3A = vector.broadcast %sign3A_17 : i32 to vector<16xi32>
    %ne3A_18 = arith.cmpi ne, %sign3A_10, %ne3A : vector<16xi32>
    %rem3A = vector.broadcast %jit3A : i32 to vector<16xi32>
    %rem3A_19 = arith.remsi %iota3A, %rem3A : vector<16xi32>
    %ne3A_20 = arith.constant 0 : i32
    %ne3A_21 = vector.broadcast %ne3A_20 : i32 to vector<16xi32>
    %ne3A_22 = arith.cmpi ne, %rem3A_19, %ne3A_21 : vector<16xi32>
    %and3A = arith.andi %ne3A_18, %ne3A_22 : vector<16xi1>
    %sub3A = arith.constant 1 : i32
    %sub3A_23 = vector.broadcast %sub3A : i32 to vector<16xi32>
    %sub3A_24 = arith.subi %div3A_2, %sub3A_23 : vector<16xi32>
    %select_n3A = arith.select %and3A, %sub3A_24, %div3A_2 : vector<16xi1>, vector<16xi32>
    %mul3A = arith.constant 4 : i32
    %mul3A_25 = arith.muli %mul3A, %arg0 : i32
    %add3A = vector.broadcast %mul3A_25 : i32 to vector<16xi32>
    %add3A_26 = arith.addi %select_n3A, %add3A : vector<16xi32>
    %add3A_27 = arith.constant 2 : i32
    %add3A_28 = vector.broadcast %add3A_27 : i32 to vector<16xi32>
    %add3A_29 = arith.addi %add3A_26, %add3A_28 : vector<16xi32>
    %mul3A_30 = arith.constant 50000 : i32
    %mul3A_31 = arith.muli %arg0, %mul3A_30 : i32
    %scan3A = arith.constant 0 : i32
    %scan3A_32 = arith.constant 0 : i32
    %scan3A_33 = arith.constant 1250 : i32
    %scan3A_34 = arith.addi %scan3A_32, %scan3A_33 : i32
    %scan3A_35 = arith.constant 1 : i32
    scf.for %scan3A_43 = %scan3A_32 to %scan3A_34 step %scan3A_35  : i32 {
      %mul3A_44 = arith.constant 100000 : i32
      %mul3A_45 = arith.muli %arg1, %mul3A_44 : i32
      %mul3A_46 = arith.constant 80 : i32
      %mul3A_47 = arith.muli %scan3A_43, %mul3A_46 : i32
      %add3A_48 = arith.addi %mul3A_45, %mul3A_47 : i32
      "tpu.region"() ({
        %run_scoped3A = tpu.sem_alloc : memref<!tpu.dma_semaphore, #tpu.memory_space<semaphore_mem>>
        %dma_start3A_87 = tpu.memref_slice %arg2[%add3A_48] : memref<1600000xi32, #tpu.memory_space<hbm>> -> memref<80xi32, #tpu.memory_space<hbm>>
        %dma_start3A_88 = tpu.memref_slice %arg2[%add3A_48] : memref<1600000xi32, #tpu.memory_space<hbm>> -> memref<80xi32, #tpu.memory_space<hbm>>
        tpu.enqueue_dma source(%dma_start3A_88 : memref<80xi32, #tpu.memory_space<hbm>>) target(%arg8 : memref<80xi32, #tpu.memory_space<vmem>>) target_semaphore(%run_scoped3A : memref<!tpu.dma_semaphore, #tpu.memory_space<semaphore_mem>>)
        %dma_wait3A_89 = tpu.memref_slice %arg2[%add3A_48] : memref<1600000xi32, #tpu.memory_space<hbm>> -> memref<80xi32, #tpu.memory_space<hbm>>
        %dma_wait3A_90 = tpu.memref_slice %arg2[%add3A_48] : memref<1600000xi32, #tpu.memory_space<hbm>> -> memref<80xi32, #tpu.memory_space<hbm>>
        tpu.wait_dma2 semaphore(%run_scoped3A : memref<!tpu.dma_semaphore, #tpu.memory_space<semaphore_mem>>) src(%dma_wait3A_90 : memref<80xi32, #tpu.memory_space<hbm>>) dst(%arg8 : memref<80xi32, #tpu.memory_space<vmem>>)
        tpu.yield
      }) : () -> ()
      "tpu.region"() ({
        %run_scoped3A = tpu.sem_alloc : memref<!tpu.dma_semaphore, #tpu.memory_space<semaphore_mem>>
        %dma_start3A_87 = tpu.memref_slice %arg3[%add3A_48] : memref<1600000xi32, #tpu.memory_space<hbm>> -> memref<80xi32, #tpu.memory_space<hbm>>
        %dma_start3A_88 = tpu.memref_slice %arg3[%add3A_48] : memref<1600000xi32, #tpu.memory_space<hbm>> -> memref<80xi32, #tpu.memory_space<hbm>>
        tpu.enqueue_dma source(%dma_start3A_88 : memref<80xi32, #tpu.memory_space<hbm>>) target(%arg10 : memref<80xi32, #tpu.memory_space<vmem>>) target_semaphore(%run_scoped3A : memref<!tpu.dma_semaphore, #tpu.memory_space<semaphore_mem>>)
        %dma_wait3A_89 = tpu.memref_slice %arg3[%add3A_48] : memref<1600000xi32, #tpu.memory_space<hbm>> -> memref<80xi32, #tpu.memory_space<hbm>>
        %dma_wait3A_90 = tpu.memref_slice %arg3[%add3A_48] : memref<1600000xi32, #tpu.memory_space<hbm>> -> memref<80xi32, #tpu.memory_space<hbm>>
        tpu.wait_dma2 semaphore(%run_scoped3A : memref<!tpu.dma_semaphore, #tpu.memory_space<semaphore_mem>>) src(%dma_wait3A_90 : memref<80xi32, #tpu.memory_space<hbm>>) dst(%arg10 : memref<80xi32, #tpu.memory_space<vmem>>)
        tpu.yield
      }) : () -> ()
      %get3A = arith.constant 0 : index
      %get3A_49 = tpu.vector_load %arg8[%get3A] {strides = array<i32>} : memref<80xi32, #tpu.memory_space<vmem>>, vector<16xi32>,
      %add3A_50 = vector.broadcast %mul3A_31 : i32 to vector<16xi32>
      %add3A_51 = arith.addi %get3A_49, %add3A_50 : vector<16xi32>
      %swap3A = arith.constant 0 : index
      %swap3A_52 = tpu.vector_load %arg9[%swap3A] {strides = array<i32>} : memref<80xi32, #tpu.memory_space<vmem>>, vector<16xi32>,
      tpu.vector_store %arg9[%swap3A], %add3A_51 {strides = array<i32>} : memref<80xi32, #tpu.memory_space<vmem>>, vector<16xi32>,
      %get3A_53 = arith.constant 16 : index
      %get3A_54 = tpu.vector_load %arg8[%get3A_53] {strides = array<i32>} : memref<80xi32, #tpu.memory_space<vmem>>, vector<16xi32>,
      %add3A_55 = vector.broadcast %mul3A_31 : i32 to vector<16xi32>
      %add3A_56 = arith.addi %get3A_54, %add3A_55 : vector<16xi32>
      %swap3A_57 = arith.constant 16 : index
      %swap3A_58 = tpu.vector_load %arg9[%swap3A_57] {strides = array<i32>} : memref<80xi32, #tpu.memory_space<vmem>>, vector<16xi32>,
      tpu.vector_store %arg9[%swap3A_57], %add3A_56 {strides = array<i32>} : memref<80xi32, #tpu.memory_space<vmem>>, vector<16xi32>,
      %get3A_59 = arith.constant 32 : index
      %get3A_60 = tpu.vector_load %arg8[%get3A_59] {strides = array<i32>} : memref<80xi32, #tpu.memory_space<vmem>>, vector<16xi32>,
      %add3A_61 = vector.broadcast %mul3A_31 : i32 to vector<16xi32>
      %add3A_62 = arith.addi %get3A_60, %add3A_61 : vector<16xi32>
      %swap3A_63 = arith.constant 32 : index
      %swap3A_64 = tpu.vector_load %arg9[%swap3A_63] {strides = array<i32>} : memref<80xi32, #tpu.memory_space<vmem>>, vector<16xi32>,
      tpu.vector_store %arg9[%swap3A_63], %add3A_62 {strides = array<i32>} : memref<80xi32, #tpu.memory_space<vmem>>, vector<16xi32>,
      %get3A_65 = arith.constant 48 : index
      %get3A_66 = tpu.vector_load %arg8[%get3A_65] {strides = array<i32>} : memref<80xi32, #tpu.memory_space<vmem>>, vector<16xi32>,
      %add3A_67 = vector.broadcast %mul3A_31 : i32 to vector<16xi32>
      %add3A_68 = arith.addi %get3A_66, %add3A_67 : vector<16xi32>
      %swap3A_69 = arith.constant 48 : index
      %swap3A_70 = tpu.vector_load %arg9[%swap3A_69] {strides = array<i32>} : memref<80xi32, #tpu.memory_space<vmem>>, vector<16xi32>,
      tpu.vector_store %arg9[%swap3A_69], %add3A_68 {strides = array<i32>} : memref<80xi32, #tpu.memory_space<vmem>>, vector<16xi32>,
      %get3A_71 = arith.constant 64 : index
      %get3A_72 = tpu.vector_load %arg8[%get3A_71] {strides = array<i32>} : memref<80xi32, #tpu.memory_space<vmem>>, vector<16xi32>,
      %add3A_73 = vector.broadcast %mul3A_31 : i32 to vector<16xi32>
      %add3A_74 = arith.addi %get3A_72, %add3A_73 : vector<16xi32>
      %swap3A_75 = arith.constant 64 : index
      %swap3A_76 = tpu.vector_load %arg9[%swap3A_75] {strides = array<i32>} : memref<80xi32, #tpu.memory_space<vmem>>, vector<16xi32>,
      tpu.vector_store %arg9[%swap3A_75], %add3A_74 {strides = array<i32>} : memref<80xi32, #tpu.memory_space<vmem>>, vector<16xi32>,
      %dma_start3A = arith.constant 0 : i32
      %dma_start3A_77 = arith.constant 0 : i32
      %dma_start3A_78 = tpu.memref_slice %arg4[%dma_start3A, %dma_start3A_77] : memref<100000x32xf32, #tpu.memory_space<hbm>> -> memref<100000x32xf32, #tpu.memory_space<hbm>>
      tpu.enqueue_indirect_dma source(%dma_start3A_78 : memref<100000x32xf32, #tpu.memory_space<hbm>>) target(%arg11 : memref<80x32xf32, #tpu.memory_space<vmem>>) offsets(%arg9 : memref<80xi32, #tpu.memory_space<vmem>>) semaphore(%arg15 : memref<!tpu.dma_semaphore, #tpu.memory_space<semaphore_mem>>)
      %dma_wait3A = arith.constant 0 : i32
      %dma_wait3A_79 = arith.constant 0 : i32
      %dma_wait3A_80 = tpu.memref_slice %arg4[%dma_wait3A, %dma_wait3A_79] : memref<100000x32xf32, #tpu.memory_space<hbm>> -> memref<100000x32xf32, #tpu.memory_space<hbm>>
      tpu.wait_indirect_dma semaphore(%arg15 : memref<!tpu.dma_semaphore, #tpu.memory_space<semaphore_mem>>) src(%dma_wait3A_80 : memref<100000x32xf32, #tpu.memory_space<hbm>>) dst(%arg11 : memref<80x32xf32, #tpu.memory_space<vmem>>)
      "tpu.region"() ({
        %run_scoped3A = tpu.sem_alloc : memref<!tpu.dma_semaphore, #tpu.memory_space<semaphore_mem>>
        %dma_start3A_87 = arith.constant 0 : i32
        %dma_start3A_88 = tpu.memref_slice %arg5[%add3A_48, %dma_start3A_87] : memref<1600000x16xf32, #tpu.memory_space<hbm>> -> memref<80x16xf32, #tpu.memory_space<hbm>>
        %dma_start3A_89 = arith.constant 0 : i32
        %dma_start3A_90 = tpu.memref_slice %arg5[%add3A_48, %dma_start3A_89] : memref<1600000x16xf32, #tpu.memory_space<hbm>> -> memref<80x16xf32, #tpu.memory_space<hbm>>
        tpu.enqueue_dma source(%dma_start3A_90 : memref<80x16xf32, #tpu.memory_space<hbm>>) target(%arg12 : memref<80x16xf32, #tpu.memory_space<vmem>>) target_semaphore(%run_scoped3A : memref<!tpu.dma_semaphore, #tpu.memory_space<semaphore_mem>>)
        %dma_wait3A_91 = arith.constant 0 : i32
        %dma_wait3A_92 = tpu.memref_slice %arg5[%add3A_48, %dma_wait3A_91] : memref<1600000x16xf32, #tpu.memory_space<hbm>> -> memref<80x16xf32, #tpu.memory_space<hbm>>
        %dma_wait3A_93 = arith.constant 0 : i32
        %dma_wait3A_94 = tpu.memref_slice %arg5[%add3A_48, %dma_wait3A_93] : memref<1600000x16xf32, #tpu.memory_space<hbm>> -> memref<80x16xf32, #tpu.memory_space<hbm>>
        tpu.wait_dma2 semaphore(%run_scoped3A : memref<!tpu.dma_semaphore, #tpu.memory_space<semaphore_mem>>) src(%dma_wait3A_94 : memref<80x16xf32, #tpu.memory_space<hbm>>) dst(%arg12 : memref<80x16xf32, #tpu.memory_space<vmem>>)
        tpu.yield
      }) : () -> ()
      %scan3A_81 = arith.constant 0 : i32
      %scan3A_82 = arith.constant 0 : i32
      %scan3A_83 = arith.constant 80 : i32
      %scan3A_84 = arith.addi %scan3A_82, %scan3A_83 : i32
      %scan3A_85 = arith.constant 1 : i32
      scf.for %scan3A_87 = %scan3A_82 to %scan3A_84 step %scan3A_85  : i32 {
        %broadcast_in_dim3A = vector.broadcast %scan3A_87 : i32 to vector<16xi32>
        %gather3A = tpu.vector_load_idx %arg12[%broadcast_in_dim3A, %add3A_26] : memref<80x16xf32, #tpu.memory_space<vmem>>[vector<16xi32>, vector<16xi32>], vector<16xf32>,
        %gather3A_88 = tpu.vector_load_idx %arg12[%broadcast_in_dim3A, %add3A_29] : memref<80x16xf32, #tpu.memory_space<vmem>>[vector<16xi32>, vector<16xi32>], vector<16xf32>,
        %get3A_89 = arith.index_cast %scan3A_87 : i32 to index
        %get3A_90 = arith.constant 0 : index
        %get3A_91 = tpu.vector_load %arg11[%get3A_89, %get3A_90] {strides = array<i32>} : memref<80x32xf32, #tpu.memory_space<vmem>>, vector<16xf32>,
        %mul3A_92 = arith.mulf %get3A_91, %gather3A : vector<16xf32>
        %swap3A_93 = arith.index_cast %scan3A_87 : i32 to index
        %swap3A_94 = arith.constant 0 : index
        %swap3A_95 = tpu.vector_load %arg13[%swap3A_93, %swap3A_94] {strides = array<i32>} : memref<80x32xf32, #tpu.memory_space<vmem>>, vector<16xf32>,
        tpu.vector_store %arg13[%swap3A_93, %swap3A_94], %mul3A_92 {strides = array<i32>} : memref<80x32xf32, #tpu.memory_space<vmem>>, vector<16xf32>,
        %get3A_96 = arith.index_cast %scan3A_87 : i32 to index
        %get3A_97 = arith.constant 16 : index
        %get3A_98 = tpu.vector_load %arg11[%get3A_96, %get3A_97] {strides = array<i32>} : memref<80x32xf32, #tpu.memory_space<vmem>>, vector<16xf32>,
        %mul3A_99 = arith.mulf %get3A_98, %gather3A_88 : vector<16xf32>
        %swap3A_100 = arith.index_cast %scan3A_87 : i32 to index
        %swap3A_101 = arith.constant 16 : index
        %swap3A_102 = tpu.vector_load %arg13[%swap3A_100, %swap3A_101] {strides = array<i32>} : memref<80x32xf32, #tpu.memory_space<vmem>>, vector<16xf32>,
        tpu.vector_store %arg13[%swap3A_100, %swap3A_101], %mul3A_99 {strides = array<i32>} : memref<80x32xf32, #tpu.memory_space<vmem>>, vector<16xf32>,
      }
      %scan3A_86 = arith.constant 80 : i32
      "tpu.region"() ({
        %run_scoped3A = tpu.sem_alloc : memref<!tpu.dma_semaphore, #tpu.memory_space<semaphore_mem>>
        %dma_start3A_87 = arith.constant 0 : i32
        %dma_start3A_88 = arith.constant 0 : i32
        %dma_start3A_89 = tpu.memref_slice %arg14[%dma_start3A_87, %dma_start3A_88] : memref<50000x32xf32, #tpu.memory_space<vmem_shared>> -> memref<50000x32xf32, #tpu.memory_space<vmem_shared>>
        tpu.enqueue_indirect_dma source(%arg13 : memref<80x32xf32, #tpu.memory_space<vmem>>) target(%dma_start3A_89 : memref<50000x32xf32, #tpu.memory_space<vmem_shared>>) offsets(%arg10 : memref<80xi32, #tpu.memory_space<vmem>>) semaphore(%run_scoped3A : memref<!tpu.dma_semaphore, #tpu.memory_space<semaphore_mem>>) {add = true}
        %dma_wait3A_90 = arith.constant 0 : i32
        %dma_wait3A_91 = arith.constant 0 : i32
        %dma_wait3A_92 = tpu.memref_slice %arg14[%dma_wait3A_90, %dma_wait3A_91] : memref<50000x32xf32, #tpu.memory_space<vmem_shared>> -> memref<50000x32xf32, #tpu.memory_space<vmem_shared>>
        tpu.wait_indirect_dma semaphore(%run_scoped3A : memref<!tpu.dma_semaphore, #tpu.memory_space<semaphore_mem>>) src(%arg13 : memref<80x32xf32, #tpu.memory_space<vmem>>) dst(%dma_wait3A_92 : memref<50000x32xf32, #tpu.memory_space<vmem_shared>>)
        tpu.yield
      }) : () -> ()
    }
    %scan3A_36 = arith.constant 1250 : i32
    %barrier3A_37 = arith.constant 0 : index
    tpu.barrier barrier_id(%barrier3A_37)
    %eq3A_38 = arith.constant 0 : i32
    %eq3A_39 = arith.cmpi eq, %arg1, %eq3A_38 : i32
    %convert_element_type3A_40 = arith.extui %eq3A_39 : i1 to i32
    %cond3A_41 = arith.constant 0 : i32
    %cond3A_42 = arith.cmpi ne, %convert_element_type3A_40, %cond3A_41 : i32
    scf.if %cond3A_42 {
      "tpu.region"() ({
        %run_scoped3A = tpu.sem_alloc : memref<!tpu.dma_semaphore, #tpu.memory_space<semaphore_mem>>
        %dma_start3A = arith.constant 0 : i32
        %dma_start3A_43 = arith.constant 0 : i32
        %dma_start3A_44 = tpu.memref_slice %arg7[%arg0, %dma_start3A, %dma_start3A_43] : memref<2x50000x32xf32, #tpu.memory_space<hbm>> -> memref<1x50000x32xf32, #tpu.memory_space<hbm>>
        %dma_start3A_45 = tpu.memref_squeeze %dma_start3A_44 : memref<1x50000x32xf32, #tpu.memory_space<hbm>> -> memref<50000x32xf32, #tpu.memory_space<hbm>>
        tpu.enqueue_dma source(%arg14 : memref<50000x32xf32, #tpu.memory_space<vmem_shared>>) target(%dma_start3A_45 : memref<50000x32xf32, #tpu.memory_space<hbm>>) target_semaphore(%run_scoped3A : memref<!tpu.dma_semaphore, #tpu.memory_space<semaphore_mem>>)
        %dma_wait3A = arith.constant 0 : i32
        %dma_wait3A_46 = arith.constant 0 : i32
        %dma_wait3A_47 = tpu.memref_slice %arg7[%arg0, %dma_wait3A, %dma_wait3A_46] : memref<2x50000x32xf32, #tpu.memory_space<hbm>> -> memref<1x50000x32xf32, #tpu.memory_space<hbm>>
        %dma_wait3A_48 = tpu.memref_squeeze %dma_wait3A_47 : memref<1x50000x32xf32, #tpu.memory_space<hbm>> -> memref<50000x32xf32, #tpu.memory_space<hbm>>
        tpu.wait_dma2 semaphore(%run_scoped3A : memref<!tpu.dma_semaphore, #tpu.memory_space<semaphore_mem>>) src(%arg14 : memref<50000x32xf32, #tpu.memory_space<vmem_shared>>) dst(%dma_wait3A_48 : memref<50000x32xf32, #tpu.memory_space<hbm>>)
        tpu.yield
      }) : () -> ()
    } else {
    }
    return
  }
}

#map = affine_map<(d0, d1) -> (0)>
#map1 = affine_map<(d0, d1) -> (0, 0)>
#map2 = affine_map<(d0, d1) -> (0, 0, 0)>
module attributes {stable_mosaic.version = 14 : i64} {
  func.func @_sc1_body(%arg0: i32, %arg1: i32, %arg2: memref<1600000xi32, #tpu.memory_space<hbm>>, %arg3: memref<1600000xi32, #tpu.memory_space<hbm>>, %arg4: memref<50000x16xf32, #tpu.memory_space<hbm>>, %arg5: memref<50000x16xf32, #tpu.memory_space<hbm>>, %arg6: memref<1600000x16xf32, #tpu.memory_space<hbm>>, %arg7: memref<2x50000x16xf32, #tpu.memory_space<hbm>>, %arg8: memref<80xi32, #tpu.memory_space<vmem>>, %arg9: memref<80xi32, #tpu.memory_space<vmem>>, %arg10: memref<80x16xf32, #tpu.memory_space<vmem>>, %arg11: memref<80x16xf32, #tpu.memory_space<vmem>>, %arg12: memref<80x16xf32, #tpu.memory_space<vmem>>, %arg13: memref<50000x16xf32, #tpu.memory_space<vmem_shared>>, %arg14: memref<!tpu.dma_semaphore, #tpu.memory_space<semaphore_mem>>, %arg15: memref<!tpu.dma_semaphore, #tpu.memory_space<semaphore_mem>>) attributes {dimension_semantics = [#tpu.dimension_semantics<core_parallel>, #tpu.dimension_semantics<subcore_parallel>], iteration_bounds = array<i64: 2, 16>, scalar_prefetch = 0 : i64, scratch_operands = 8 : i64, tpu.core_type = #tpu.core_type<sc_vector_subcore>, window_params = [{transform_indices = #map}, {transform_indices = #map}, {transform_indices = #map1}, {transform_indices = #map1}, {transform_indices = #map1}, {transform_indices = #map2}]} {
    %mul3A = arith.constant 16 : i32
    %mul3A_0 = arith.muli %arg0, %mul3A : i32
    %add3A = arith.addi %mul3A_0, %arg1 : i32
    %eq3A = arith.constant 0 : i32
    %eq3A_1 = arith.cmpi eq, %arg1, %eq3A : i32
    %convert_element_type3A = arith.extui %eq3A_1 : i1 to i32
    %cond3A = arith.constant 0 : i32
    %cond3A_2 = arith.cmpi ne, %convert_element_type3A, %cond3A : i32
    scf.if %cond3A_2 {
      "tpu.region"() ({
        %run_scoped3A = tpu.sem_alloc : memref<!tpu.dma_semaphore, #tpu.memory_space<semaphore_mem>>
        tpu.enqueue_dma source(%arg5 : memref<50000x16xf32, #tpu.memory_space<hbm>>) target(%arg13 : memref<50000x16xf32, #tpu.memory_space<vmem_shared>>) target_semaphore(%run_scoped3A : memref<!tpu.dma_semaphore, #tpu.memory_space<semaphore_mem>>)
        tpu.wait_dma2 semaphore(%run_scoped3A : memref<!tpu.dma_semaphore, #tpu.memory_space<semaphore_mem>>) src(%arg5 : memref<50000x16xf32, #tpu.memory_space<hbm>>) dst(%arg13 : memref<50000x16xf32, #tpu.memory_space<vmem_shared>>)
        tpu.yield
      }) : () -> ()
    } else {
    }
    %barrier3A = arith.constant 0 : index
    tpu.barrier barrier_id(%barrier3A)
    %iota3A = tpu.iota {dimensions = array<i32: 0>} : vector<16xi32>
    %add3A_3 = arith.constant 8 : i32
    %add3A_4 = vector.broadcast %add3A_3 : i32 to vector<16xi32>
    %add3A_5 = arith.addi %iota3A, %add3A_4 : vector<16xi32>
    %jit3A = arith.constant 16 : i32
    %eq3A_6 = arith.constant 0 : i32
    %eq3A_7 = arith.cmpi eq, %jit3A, %eq3A_6 : i32
    %jit3A_8 = arith.constant 1 : i32
    %select_n3A = arith.select %eq3A_7, %jit3A_8, %jit3A : i32
    %rem3A = vector.broadcast %select_n3A : i32 to vector<16xi32>
    %rem3A_9 = arith.remsi %add3A_5, %rem3A : vector<16xi32>
    %ne3A = arith.constant 0 : i32
    %ne3A_10 = vector.broadcast %ne3A : i32 to vector<16xi32>
    %ne3A_11 = arith.cmpi ne, %rem3A_9, %ne3A_10 : vector<16xi32>
    %lt3A = arith.constant 0 : i32
    %lt3A_12 = vector.broadcast %lt3A : i32 to vector<16xi32>
    %lt3A_13 = arith.cmpi slt, %rem3A_9, %lt3A_12 : vector<16xi32>
    %lt3A_14 = arith.constant 0 : i32
    %lt3A_15 = arith.cmpi slt, %select_n3A, %lt3A_14 : i32
    %ne3A_16 = vector.broadcast %lt3A_15 : i1 to vector<16xi1>
    %ne3A_17 = vector.broadcast %ne3A_16 : vector<16xi1> to vector<16xi1>
    %ne3A_18 = arith.xori %lt3A_13, %ne3A_17 : vector<16xi1>
    %and3A = arith.andi %ne3A_18, %ne3A_11 : vector<16xi1>
    %add3A_19 = vector.broadcast %select_n3A : i32 to vector<16xi32>
    %add3A_20 = arith.addi %rem3A_9, %add3A_19 : vector<16xi32>
    %select_n3A_21 = arith.select %and3A, %add3A_20, %rem3A_9 : vector<16xi1>, vector<16xi32>
    %scan3A = arith.constant 0 : i32
    %scan3A_22 = arith.constant 0 : i32
    %scan3A_23 = arith.constant 625 : i32
    %scan3A_24 = arith.addi %scan3A_22, %scan3A_23 : i32
    %scan3A_25 = arith.constant 1 : i32
    scf.for %scan3A_33 = %scan3A_22 to %scan3A_24 step %scan3A_25  : i32 {
      %mul3A_34 = arith.constant 50000 : i32
      %mul3A_35 = arith.muli %add3A, %mul3A_34 : i32
      %mul3A_36 = arith.constant 80 : i32
      %mul3A_37 = arith.muli %scan3A_33, %mul3A_36 : i32
      %add3A_38 = arith.addi %mul3A_35, %mul3A_37 : i32
      "tpu.region"() ({
        %run_scoped3A = tpu.sem_alloc : memref<!tpu.dma_semaphore, #tpu.memory_space<semaphore_mem>>
        %dma_start3A_55 = tpu.memref_slice %arg2[%add3A_38] : memref<1600000xi32, #tpu.memory_space<hbm>> -> memref<80xi32, #tpu.memory_space<hbm>>
        %dma_start3A_56 = tpu.memref_slice %arg2[%add3A_38] : memref<1600000xi32, #tpu.memory_space<hbm>> -> memref<80xi32, #tpu.memory_space<hbm>>
        tpu.enqueue_dma source(%dma_start3A_56 : memref<80xi32, #tpu.memory_space<hbm>>) target(%arg8 : memref<80xi32, #tpu.memory_space<vmem>>) target_semaphore(%run_scoped3A : memref<!tpu.dma_semaphore, #tpu.memory_space<semaphore_mem>>)
        %dma_wait3A_57 = tpu.memref_slice %arg2[%add3A_38] : memref<1600000xi32, #tpu.memory_space<hbm>> -> memref<80xi32, #tpu.memory_space<hbm>>
        %dma_wait3A_58 = tpu.memref_slice %arg2[%add3A_38] : memref<1600000xi32, #tpu.memory_space<hbm>> -> memref<80xi32, #tpu.memory_space<hbm>>
        tpu.wait_dma2 semaphore(%run_scoped3A : memref<!tpu.dma_semaphore, #tpu.memory_space<semaphore_mem>>) src(%dma_wait3A_58 : memref<80xi32, #tpu.memory_space<hbm>>) dst(%arg8 : memref<80xi32, #tpu.memory_space<vmem>>)
        tpu.yield
      }) : () -> ()
      "tpu.region"() ({
        %run_scoped3A = tpu.sem_alloc : memref<!tpu.dma_semaphore, #tpu.memory_space<semaphore_mem>>
        %dma_start3A_55 = tpu.memref_slice %arg3[%add3A_38] : memref<1600000xi32, #tpu.memory_space<hbm>> -> memref<80xi32, #tpu.memory_space<hbm>>
        %dma_start3A_56 = tpu.memref_slice %arg3[%add3A_38] : memref<1600000xi32, #tpu.memory_space<hbm>> -> memref<80xi32, #tpu.memory_space<hbm>>
        tpu.enqueue_dma source(%dma_start3A_56 : memref<80xi32, #tpu.memory_space<hbm>>) target(%arg9 : memref<80xi32, #tpu.memory_space<vmem>>) target_semaphore(%run_scoped3A : memref<!tpu.dma_semaphore, #tpu.memory_space<semaphore_mem>>)
        %dma_wait3A_57 = tpu.memref_slice %arg3[%add3A_38] : memref<1600000xi32, #tpu.memory_space<hbm>> -> memref<80xi32, #tpu.memory_space<hbm>>
        %dma_wait3A_58 = tpu.memref_slice %arg3[%add3A_38] : memref<1600000xi32, #tpu.memory_space<hbm>> -> memref<80xi32, #tpu.memory_space<hbm>>
        tpu.wait_dma2 semaphore(%run_scoped3A : memref<!tpu.dma_semaphore, #tpu.memory_space<semaphore_mem>>) src(%dma_wait3A_58 : memref<80xi32, #tpu.memory_space<hbm>>) dst(%arg9 : memref<80xi32, #tpu.memory_space<vmem>>)
        tpu.yield
      }) : () -> ()
      %dma_start3A = arith.constant 0 : i32
      %dma_start3A_39 = arith.constant 0 : i32
      %dma_start3A_40 = tpu.memref_slice %arg4[%dma_start3A, %dma_start3A_39] : memref<50000x16xf32, #tpu.memory_space<hbm>> -> memref<50000x16xf32, #tpu.memory_space<hbm>>
      tpu.enqueue_indirect_dma source(%dma_start3A_40 : memref<50000x16xf32, #tpu.memory_space<hbm>>) target(%arg10 : memref<80x16xf32, #tpu.memory_space<vmem>>) offsets(%arg8 : memref<80xi32, #tpu.memory_space<vmem>>) semaphore(%arg14 : memref<!tpu.dma_semaphore, #tpu.memory_space<semaphore_mem>>)
      %dma_wait3A = arith.constant 0 : i32
      %dma_wait3A_41 = arith.constant 0 : i32
      %dma_wait3A_42 = tpu.memref_slice %arg4[%dma_wait3A, %dma_wait3A_41] : memref<50000x16xf32, #tpu.memory_space<hbm>> -> memref<50000x16xf32, #tpu.memory_space<hbm>>
      tpu.wait_indirect_dma semaphore(%arg14 : memref<!tpu.dma_semaphore, #tpu.memory_space<semaphore_mem>>) src(%dma_wait3A_42 : memref<50000x16xf32, #tpu.memory_space<hbm>>) dst(%arg10 : memref<80x16xf32, #tpu.memory_space<vmem>>)
      %dma_start3A_43 = arith.constant 0 : i32
      %dma_start3A_44 = arith.constant 0 : i32
      %dma_start3A_45 = tpu.memref_slice %arg4[%dma_start3A_43, %dma_start3A_44] : memref<50000x16xf32, #tpu.memory_space<hbm>> -> memref<50000x16xf32, #tpu.memory_space<hbm>>
      tpu.enqueue_indirect_dma source(%dma_start3A_45 : memref<50000x16xf32, #tpu.memory_space<hbm>>) target(%arg11 : memref<80x16xf32, #tpu.memory_space<vmem>>) offsets(%arg9 : memref<80xi32, #tpu.memory_space<vmem>>) semaphore(%arg15 : memref<!tpu.dma_semaphore, #tpu.memory_space<semaphore_mem>>)
      %dma_wait3A_46 = arith.constant 0 : i32
      %dma_wait3A_47 = arith.constant 0 : i32
      %dma_wait3A_48 = tpu.memref_slice %arg4[%dma_wait3A_46, %dma_wait3A_47] : memref<50000x16xf32, #tpu.memory_space<hbm>> -> memref<50000x16xf32, #tpu.memory_space<hbm>>
      tpu.wait_indirect_dma semaphore(%arg15 : memref<!tpu.dma_semaphore, #tpu.memory_space<semaphore_mem>>) src(%dma_wait3A_48 : memref<50000x16xf32, #tpu.memory_space<hbm>>) dst(%arg11 : memref<80x16xf32, #tpu.memory_space<vmem>>)
      %scan3A_49 = arith.constant 0 : i32
      %scan3A_50 = arith.constant 0 : i32
      %scan3A_51 = arith.constant 80 : i32
      %scan3A_52 = arith.addi %scan3A_50, %scan3A_51 : i32
      %scan3A_53 = arith.constant 1 : i32
      scf.for %scan3A_55 = %scan3A_50 to %scan3A_52 step %scan3A_53  : i32 {
        %broadcast_in_dim3A = vector.broadcast %scan3A_55 : i32 to vector<16xi32>
        %get3A = arith.index_cast %scan3A_55 : i32 to index
        %get3A_56 = arith.constant 0 : index
        %get3A_57 = tpu.vector_load %arg10[%get3A, %get3A_56] {strides = array<i32>} : memref<80x16xf32, #tpu.memory_space<vmem>>, vector<16xf32>,
        %gather3A = tpu.vector_load_idx %arg11[%broadcast_in_dim3A, %select_n3A_21] : memref<80x16xf32, #tpu.memory_space<vmem>>[vector<16xi32>, vector<16xi32>], vector<16xf32>,
        %add3A_58 = arith.addf %get3A_57, %gather3A : vector<16xf32>
        %gt3A = arith.constant 0.000000e+00 : f32
        %gt3A_59 = vector.broadcast %gt3A : f32 to vector<16xf32>
        %gt3A_60 = arith.cmpf ogt, %add3A_58, %gt3A_59 : vector<16xf32>
        %mul3A_61 = arith.constant 2.000000e-01 : f32
        %mul3A_62 = vector.broadcast %mul3A_61 : f32 to vector<16xf32>
        %mul3A_63 = arith.mulf %mul3A_62, %add3A_58 : vector<16xf32>
        %select_n3A_64 = arith.select %gt3A_60, %add3A_58, %mul3A_63 : vector<16xi1>, vector<16xf32>
        %exp3A = math.exp %select_n3A_64 : vector<16xf32>
        %swap3A = arith.index_cast %scan3A_55 : i32 to index
        %swap3A_65 = arith.constant 0 : index
        %swap3A_66 = tpu.vector_load %arg12[%swap3A, %swap3A_65] {strides = array<i32>} : memref<80x16xf32, #tpu.memory_space<vmem>>, vector<16xf32>,
        tpu.vector_store %arg12[%swap3A, %swap3A_65], %exp3A {strides = array<i32>} : memref<80x16xf32, #tpu.memory_space<vmem>>, vector<16xf32>,
      }
      %scan3A_54 = arith.constant 80 : i32
      "tpu.region"() ({
        %run_scoped3A = tpu.sem_alloc : memref<!tpu.dma_semaphore, #tpu.memory_space<semaphore_mem>>
        %dma_start3A_55 = arith.constant 0 : i32
        %dma_start3A_56 = arith.constant 0 : i32
        %dma_start3A_57 = tpu.memref_slice %arg13[%dma_start3A_55, %dma_start3A_56] : memref<50000x16xf32, #tpu.memory_space<vmem_shared>> -> memref<50000x16xf32, #tpu.memory_space<vmem_shared>>
        tpu.enqueue_indirect_dma source(%arg12 : memref<80x16xf32, #tpu.memory_space<vmem>>) target(%dma_start3A_57 : memref<50000x16xf32, #tpu.memory_space<vmem_shared>>) offsets(%arg9 : memref<80xi32, #tpu.memory_space<vmem>>) semaphore(%run_scoped3A : memref<!tpu.dma_semaphore, #tpu.memory_space<semaphore_mem>>) {add = true}
        %dma_wait3A_58 = arith.constant 0 : i32
        %dma_wait3A_59 = arith.constant 0 : i32
        %dma_wait3A_60 = tpu.memref_slice %arg13[%dma_wait3A_58, %dma_wait3A_59] : memref<50000x16xf32, #tpu.memory_space<vmem_shared>> -> memref<50000x16xf32, #tpu.memory_space<vmem_shared>>
        tpu.wait_indirect_dma semaphore(%run_scoped3A : memref<!tpu.dma_semaphore, #tpu.memory_space<semaphore_mem>>) src(%arg12 : memref<80x16xf32, #tpu.memory_space<vmem>>) dst(%dma_wait3A_60 : memref<50000x16xf32, #tpu.memory_space<vmem_shared>>)
        tpu.yield
      }) : () -> ()
      "tpu.region"() ({
        %run_scoped3A = tpu.sem_alloc : memref<!tpu.dma_semaphore, #tpu.memory_space<semaphore_mem>>
        %dma_start3A_55 = arith.constant 0 : i32
        %dma_start3A_56 = tpu.memref_slice %arg6[%add3A_38, %dma_start3A_55] : memref<1600000x16xf32, #tpu.memory_space<hbm>> -> memref<80x16xf32, #tpu.memory_space<hbm>>
        %dma_start3A_57 = arith.constant 0 : i32
        %dma_start3A_58 = tpu.memref_slice %arg6[%add3A_38, %dma_start3A_57] : memref<1600000x16xf32, #tpu.memory_space<hbm>> -> memref<80x16xf32, #tpu.memory_space<hbm>>
        tpu.enqueue_dma source(%arg12 : memref<80x16xf32, #tpu.memory_space<vmem>>) target(%dma_start3A_58 : memref<80x16xf32, #tpu.memory_space<hbm>>) target_semaphore(%run_scoped3A : memref<!tpu.dma_semaphore, #tpu.memory_space<semaphore_mem>>)
        %dma_wait3A_59 = arith.constant 0 : i32
        %dma_wait3A_60 = tpu.memref_slice %arg6[%add3A_38, %dma_wait3A_59] : memref<1600000x16xf32, #tpu.memory_space<hbm>> -> memref<80x16xf32, #tpu.memory_space<hbm>>
        %dma_wait3A_61 = arith.constant 0 : i32
        %dma_wait3A_62 = tpu.memref_slice %arg6[%add3A_38, %dma_wait3A_61] : memref<1600000x16xf32, #tpu.memory_space<hbm>> -> memref<80x16xf32, #tpu.memory_space<hbm>>
        tpu.wait_dma2 semaphore(%run_scoped3A : memref<!tpu.dma_semaphore, #tpu.memory_space<semaphore_mem>>) src(%arg12 : memref<80x16xf32, #tpu.memory_space<vmem>>) dst(%dma_wait3A_62 : memref<80x16xf32, #tpu.memory_space<hbm>>)
        tpu.yield
      }) : () -> ()
    }
    %scan3A_26 = arith.constant 625 : i32
    %barrier3A_27 = arith.constant 0 : index
    tpu.barrier barrier_id(%barrier3A_27)
    %eq3A_28 = arith.constant 0 : i32
    %eq3A_29 = arith.cmpi eq, %arg1, %eq3A_28 : i32
    %convert_element_type3A_30 = arith.extui %eq3A_29 : i1 to i32
    %cond3A_31 = arith.constant 0 : i32
    %cond3A_32 = arith.cmpi ne, %convert_element_type3A_30, %cond3A_31 : i32
    scf.if %cond3A_32 {
      "tpu.region"() ({
        %run_scoped3A = tpu.sem_alloc : memref<!tpu.dma_semaphore, #tpu.memory_space<semaphore_mem>>
        %dma_start3A = arith.constant 0 : i32
        %dma_start3A_33 = arith.constant 0 : i32
        %dma_start3A_34 = tpu.memref_slice %arg7[%arg0, %dma_start3A, %dma_start3A_33] : memref<2x50000x16xf32, #tpu.memory_space<hbm>> -> memref<1x50000x16xf32, #tpu.memory_space<hbm>>
        %dma_start3A_35 = tpu.memref_squeeze %dma_start3A_34 : memref<1x50000x16xf32, #tpu.memory_space<hbm>> -> memref<50000x16xf32, #tpu.memory_space<hbm>>
        tpu.enqueue_dma source(%arg13 : memref<50000x16xf32, #tpu.memory_space<vmem_shared>>) target(%dma_start3A_35 : memref<50000x16xf32, #tpu.memory_space<hbm>>) target_semaphore(%run_scoped3A : memref<!tpu.dma_semaphore, #tpu.memory_space<semaphore_mem>>)
        %dma_wait3A = arith.constant 0 : i32
        %dma_wait3A_36 = arith.constant 0 : i32
        %dma_wait3A_37 = tpu.memref_slice %arg7[%arg0, %dma_wait3A, %dma_wait3A_36] : memref<2x50000x16xf32, #tpu.memory_space<hbm>> -> memref<1x50000x16xf32, #tpu.memory_space<hbm>>
        %dma_wait3A_38 = tpu.memref_squeeze %dma_wait3A_37 : memref<1x50000x16xf32, #tpu.memory_space<hbm>> -> memref<50000x16xf32, #tpu.memory_space<hbm>>
        tpu.wait_dma2 semaphore(%run_scoped3A : memref<!tpu.dma_semaphore, #tpu.memory_space<semaphore_mem>>) src(%arg13 : memref<50000x16xf32, #tpu.memory_space<vmem_shared>>) dst(%dma_wait3A_38 : memref<50000x16xf32, #tpu.memory_space<hbm>>)
        tpu.yield
      }) : () -> ()
    } else {
    }
    return
  }
}

#map = affine_map<(d0, d1) -> (0)>
#map1 = affine_map<(d0, d1) -> (0, 0)>
#map2 = affine_map<(d0, d1) -> (0, 0, 0)>
module attributes {stable_mosaic.version = 14 : i64} {
  func.func @_sc3_body(%arg0: i32, %arg1: i32, %arg2: memref<1600000xi32, #tpu.memory_space<hbm>>, %arg3: memref<1600000xi32, #tpu.memory_space<hbm>>, %arg4: memref<50000x16xf32, #tpu.memory_space<hbm>>, %arg5: memref<50000x16xf32, #tpu.memory_space<hbm>>, %arg6: memref<2x50000x16xf32, #tpu.memory_space<hbm>>, %arg7: memref<80xi32, #tpu.memory_space<vmem>>, %arg8: memref<80xi32, #tpu.memory_space<vmem>>, %arg9: memref<80x16xf32, #tpu.memory_space<vmem>>, %arg10: memref<80x16xf32, #tpu.memory_space<vmem>>, %arg11: memref<80x16xf32, #tpu.memory_space<vmem>>, %arg12: memref<50000x16xf32, #tpu.memory_space<vmem_shared>>, %arg13: memref<!tpu.dma_semaphore, #tpu.memory_space<semaphore_mem>>, %arg14: memref<!tpu.dma_semaphore, #tpu.memory_space<semaphore_mem>>) attributes {dimension_semantics = [#tpu.dimension_semantics<core_parallel>, #tpu.dimension_semantics<subcore_parallel>], iteration_bounds = array<i64: 2, 16>, scalar_prefetch = 0 : i64, scratch_operands = 8 : i64, tpu.core_type = #tpu.core_type<sc_vector_subcore>, window_params = [{transform_indices = #map}, {transform_indices = #map}, {transform_indices = #map1}, {transform_indices = #map1}, {transform_indices = #map2}]} {
    %mul3A = arith.constant 16 : i32
    %mul3A_0 = arith.muli %arg0, %mul3A : i32
    %add3A = arith.addi %mul3A_0, %arg1 : i32
    %eq3A = arith.constant 0 : i32
    %eq3A_1 = arith.cmpi eq, %arg1, %eq3A : i32
    %convert_element_type3A = arith.extui %eq3A_1 : i1 to i32
    %cond3A = arith.constant 0 : i32
    %cond3A_2 = arith.cmpi ne, %convert_element_type3A, %cond3A : i32
    scf.if %cond3A_2 {
      "tpu.region"() ({
        %run_scoped3A = tpu.sem_alloc : memref<!tpu.dma_semaphore, #tpu.memory_space<semaphore_mem>>
        tpu.enqueue_dma source(%arg5 : memref<50000x16xf32, #tpu.memory_space<hbm>>) target(%arg12 : memref<50000x16xf32, #tpu.memory_space<vmem_shared>>) target_semaphore(%run_scoped3A : memref<!tpu.dma_semaphore, #tpu.memory_space<semaphore_mem>>)
        tpu.wait_dma2 semaphore(%run_scoped3A : memref<!tpu.dma_semaphore, #tpu.memory_space<semaphore_mem>>) src(%arg5 : memref<50000x16xf32, #tpu.memory_space<hbm>>) dst(%arg12 : memref<50000x16xf32, #tpu.memory_space<vmem_shared>>)
        tpu.yield
      }) : () -> ()
    } else {
    }
    %barrier3A = arith.constant 0 : index
    tpu.barrier barrier_id(%barrier3A)
    %iota3A = tpu.iota {dimensions = array<i32: 0>} : vector<16xi32>
    %broadcast_in_dim3A = arith.constant 7 : i32
    %broadcast_in_dim3A_3 = vector.broadcast %broadcast_in_dim3A : i32 to vector<16xi32>
    %broadcast_in_dim3A_4 = arith.constant 8 : i32
    %broadcast_in_dim3A_5 = vector.broadcast %broadcast_in_dim3A_4 : i32 to vector<16xi32>
    %scan3A = arith.constant 0 : i32
    %scan3A_6 = arith.constant 0 : i32
    %scan3A_7 = arith.constant 625 : i32
    %scan3A_8 = arith.addi %scan3A_6, %scan3A_7 : i32
    %scan3A_9 = arith.constant 1 : i32
    scf.for %scan3A_17 = %scan3A_6 to %scan3A_8 step %scan3A_9  : i32 {
      %mul3A_18 = arith.constant 50000 : i32
      %mul3A_19 = arith.muli %add3A, %mul3A_18 : i32
      %mul3A_20 = arith.constant 80 : i32
      %mul3A_21 = arith.muli %scan3A_17, %mul3A_20 : i32
      %add3A_22 = arith.addi %mul3A_19, %mul3A_21 : i32
      "tpu.region"() ({
        %run_scoped3A = tpu.sem_alloc : memref<!tpu.dma_semaphore, #tpu.memory_space<semaphore_mem>>
        %dma_start3A_39 = tpu.memref_slice %arg2[%add3A_22] : memref<1600000xi32, #tpu.memory_space<hbm>> -> memref<80xi32, #tpu.memory_space<hbm>>
        %dma_start3A_40 = tpu.memref_slice %arg2[%add3A_22] : memref<1600000xi32, #tpu.memory_space<hbm>> -> memref<80xi32, #tpu.memory_space<hbm>>
        tpu.enqueue_dma source(%dma_start3A_40 : memref<80xi32, #tpu.memory_space<hbm>>) target(%arg7 : memref<80xi32, #tpu.memory_space<vmem>>) target_semaphore(%run_scoped3A : memref<!tpu.dma_semaphore, #tpu.memory_space<semaphore_mem>>)
        %dma_wait3A_41 = tpu.memref_slice %arg2[%add3A_22] : memref<1600000xi32, #tpu.memory_space<hbm>> -> memref<80xi32, #tpu.memory_space<hbm>>
        %dma_wait3A_42 = tpu.memref_slice %arg2[%add3A_22] : memref<1600000xi32, #tpu.memory_space<hbm>> -> memref<80xi32, #tpu.memory_space<hbm>>
        tpu.wait_dma2 semaphore(%run_scoped3A : memref<!tpu.dma_semaphore, #tpu.memory_space<semaphore_mem>>) src(%dma_wait3A_42 : memref<80xi32, #tpu.memory_space<hbm>>) dst(%arg7 : memref<80xi32, #tpu.memory_space<vmem>>)
        tpu.yield
      }) : () -> ()
      "tpu.region"() ({
        %run_scoped3A = tpu.sem_alloc : memref<!tpu.dma_semaphore, #tpu.memory_space<semaphore_mem>>
        %dma_start3A_39 = tpu.memref_slice %arg3[%add3A_22] : memref<1600000xi32, #tpu.memory_space<hbm>> -> memref<80xi32, #tpu.memory_space<hbm>>
        %dma_start3A_40 = tpu.memref_slice %arg3[%add3A_22] : memref<1600000xi32, #tpu.memory_space<hbm>> -> memref<80xi32, #tpu.memory_space<hbm>>
        tpu.enqueue_dma source(%dma_start3A_40 : memref<80xi32, #tpu.memory_space<hbm>>) target(%arg8 : memref<80xi32, #tpu.memory_space<vmem>>) target_semaphore(%run_scoped3A : memref<!tpu.dma_semaphore, #tpu.memory_space<semaphore_mem>>)
        %dma_wait3A_41 = tpu.memref_slice %arg3[%add3A_22] : memref<1600000xi32, #tpu.memory_space<hbm>> -> memref<80xi32, #tpu.memory_space<hbm>>
        %dma_wait3A_42 = tpu.memref_slice %arg3[%add3A_22] : memref<1600000xi32, #tpu.memory_space<hbm>> -> memref<80xi32, #tpu.memory_space<hbm>>
        tpu.wait_dma2 semaphore(%run_scoped3A : memref<!tpu.dma_semaphore, #tpu.memory_space<semaphore_mem>>) src(%dma_wait3A_42 : memref<80xi32, #tpu.memory_space<hbm>>) dst(%arg8 : memref<80xi32, #tpu.memory_space<vmem>>)
        tpu.yield
      }) : () -> ()
      %dma_start3A = arith.constant 0 : i32
      %dma_start3A_23 = arith.constant 0 : i32
      %dma_start3A_24 = tpu.memref_slice %arg4[%dma_start3A, %dma_start3A_23] : memref<50000x16xf32, #tpu.memory_space<hbm>> -> memref<50000x16xf32, #tpu.memory_space<hbm>>
      tpu.enqueue_indirect_dma source(%dma_start3A_24 : memref<50000x16xf32, #tpu.memory_space<hbm>>) target(%arg9 : memref<80x16xf32, #tpu.memory_space<vmem>>) offsets(%arg7 : memref<80xi32, #tpu.memory_space<vmem>>) semaphore(%arg13 : memref<!tpu.dma_semaphore, #tpu.memory_space<semaphore_mem>>)
      %dma_wait3A = arith.constant 0 : i32
      %dma_wait3A_25 = arith.constant 0 : i32
      %dma_wait3A_26 = tpu.memref_slice %arg4[%dma_wait3A, %dma_wait3A_25] : memref<50000x16xf32, #tpu.memory_space<hbm>> -> memref<50000x16xf32, #tpu.memory_space<hbm>>
      tpu.wait_indirect_dma semaphore(%arg13 : memref<!tpu.dma_semaphore, #tpu.memory_space<semaphore_mem>>) src(%dma_wait3A_26 : memref<50000x16xf32, #tpu.memory_space<hbm>>) dst(%arg9 : memref<80x16xf32, #tpu.memory_space<vmem>>)
      %dma_start3A_27 = arith.constant 0 : i32
      %dma_start3A_28 = arith.constant 0 : i32
      %dma_start3A_29 = tpu.memref_slice %arg4[%dma_start3A_27, %dma_start3A_28] : memref<50000x16xf32, #tpu.memory_space<hbm>> -> memref<50000x16xf32, #tpu.memory_space<hbm>>
      tpu.enqueue_indirect_dma source(%dma_start3A_29 : memref<50000x16xf32, #tpu.memory_space<hbm>>) target(%arg10 : memref<80x16xf32, #tpu.memory_space<vmem>>) offsets(%arg8 : memref<80xi32, #tpu.memory_space<vmem>>) semaphore(%arg14 : memref<!tpu.dma_semaphore, #tpu.memory_space<semaphore_mem>>)
      %dma_wait3A_30 = arith.constant 0 : i32
      %dma_wait3A_31 = arith.constant 0 : i32
      %dma_wait3A_32 = tpu.memref_slice %arg4[%dma_wait3A_30, %dma_wait3A_31] : memref<50000x16xf32, #tpu.memory_space<hbm>> -> memref<50000x16xf32, #tpu.memory_space<hbm>>
      tpu.wait_indirect_dma semaphore(%arg14 : memref<!tpu.dma_semaphore, #tpu.memory_space<semaphore_mem>>) src(%dma_wait3A_32 : memref<50000x16xf32, #tpu.memory_space<hbm>>) dst(%arg10 : memref<80x16xf32, #tpu.memory_space<vmem>>)
      %scan3A_33 = arith.constant 0 : i32
      %scan3A_34 = arith.constant 0 : i32
      %scan3A_35 = arith.constant 80 : i32
      %scan3A_36 = arith.addi %scan3A_34, %scan3A_35 : i32
      %scan3A_37 = arith.constant 1 : i32
      scf.for %scan3A_39 = %scan3A_34 to %scan3A_36 step %scan3A_37  : i32 {
        %broadcast_in_dim3A_40 = vector.broadcast %scan3A_39 : i32 to vector<16xi32>
        %get3A = arith.index_cast %scan3A_39 : i32 to index
        %get3A_41 = arith.constant 0 : index
        %get3A_42 = tpu.vector_load %arg9[%get3A, %get3A_41] {strides = array<i32>} : memref<80x16xf32, #tpu.memory_space<vmem>>, vector<16xf32>,
        %gather3A = tpu.vector_load_idx %arg9[%broadcast_in_dim3A_40, %broadcast_in_dim3A_3] : memref<80x16xf32, #tpu.memory_space<vmem>>[vector<16xi32>, vector<16xi32>], vector<16xf32>,
        %gather3A_43 = tpu.vector_load_idx %arg10[%broadcast_in_dim3A_40, %broadcast_in_dim3A_5] : memref<80x16xf32, #tpu.memory_space<vmem>>[vector<16xi32>, vector<16xi32>], vector<16xf32>,
        %add3A_44 = arith.addf %gather3A, %gather3A_43 : vector<16xf32>
        %gt3A = arith.constant 0.000000e+00 : f32
        %gt3A_45 = vector.broadcast %gt3A : f32 to vector<16xf32>
        %gt3A_46 = arith.cmpf ogt, %add3A_44, %gt3A_45 : vector<16xf32>
        %mul3A_47 = arith.constant 2.000000e-01 : f32
        %mul3A_48 = vector.broadcast %mul3A_47 : f32 to vector<16xf32>
        %mul3A_49 = arith.mulf %mul3A_48, %add3A_44 : vector<16xf32>
        %select_n3A = arith.select %gt3A_46, %add3A_44, %mul3A_49 : vector<16xi1>, vector<16xf32>
        %exp3A = math.exp %select_n3A : vector<16xf32>
        %lt3A = arith.constant 7 : i32
        %lt3A_50 = vector.broadcast %lt3A : i32 to vector<16xi32>
        %lt3A_51 = arith.cmpi slt, %iota3A, %lt3A_50 : vector<16xi32>
        %mul3A_52 = arith.mulf %get3A_42, %exp3A : vector<16xf32>
        %eq3A_53 = arith.constant 7 : i32
        %eq3A_54 = vector.broadcast %eq3A_53 : i32 to vector<16xi32>
        %eq3A_55 = arith.cmpi eq, %iota3A, %eq3A_54 : vector<16xi32>
        %jit3A = arith.constant 0.000000e+00 : f32
        %broadcast_in_dim3A_56 = vector.broadcast %jit3A : f32 to vector<16xf32>
        %select_n3A_57 = arith.select %eq3A_55, %exp3A, %broadcast_in_dim3A_56 : vector<16xi1>, vector<16xf32>
        %select_n3A_58 = arith.select %lt3A_51, %mul3A_52, %select_n3A_57 : vector<16xi1>, vector<16xf32>
        %swap3A = arith.index_cast %scan3A_39 : i32 to index
        %swap3A_59 = arith.constant 0 : index
        %swap3A_60 = tpu.vector_load %arg11[%swap3A, %swap3A_59] {strides = array<i32>} : memref<80x16xf32, #tpu.memory_space<vmem>>, vector<16xf32>,
        tpu.vector_store %arg11[%swap3A, %swap3A_59], %select_n3A_58 {strides = array<i32>} : memref<80x16xf32, #tpu.memory_space<vmem>>, vector<16xf32>,
      }
      %scan3A_38 = arith.constant 80 : i32
      "tpu.region"() ({
        %run_scoped3A = tpu.sem_alloc : memref<!tpu.dma_semaphore, #tpu.memory_space<semaphore_mem>>
        %dma_start3A_39 = arith.constant 0 : i32
        %dma_start3A_40 = arith.constant 0 : i32
        %dma_start3A_41 = tpu.memref_slice %arg12[%dma_start3A_39, %dma_start3A_40] : memref<50000x16xf32, #tpu.memory_space<vmem_shared>> -> memref<50000x16xf32, #tpu.memory_space<vmem_shared>>
        tpu.enqueue_indirect_dma source(%arg11 : memref<80x16xf32, #tpu.memory_space<vmem>>) target(%dma_start3A_41 : memref<50000x16xf32, #tpu.memory_space<vmem_shared>>) offsets(%arg8 : memref<80xi32, #tpu.memory_space<vmem>>) semaphore(%run_scoped3A : memref<!tpu.dma_semaphore, #tpu.memory_space<semaphore_mem>>) {add = true}
        %dma_wait3A_42 = arith.constant 0 : i32
        %dma_wait3A_43 = arith.constant 0 : i32
        %dma_wait3A_44 = tpu.memref_slice %arg12[%dma_wait3A_42, %dma_wait3A_43] : memref<50000x16xf32, #tpu.memory_space<vmem_shared>> -> memref<50000x16xf32, #tpu.memory_space<vmem_shared>>
        tpu.wait_indirect_dma semaphore(%run_scoped3A : memref<!tpu.dma_semaphore, #tpu.memory_space<semaphore_mem>>) src(%arg11 : memref<80x16xf32, #tpu.memory_space<vmem>>) dst(%dma_wait3A_44 : memref<50000x16xf32, #tpu.memory_space<vmem_shared>>)
        tpu.yield
      }) : () -> ()
    }
    %scan3A_10 = arith.constant 625 : i32
    %barrier3A_11 = arith.constant 0 : index
    tpu.barrier barrier_id(%barrier3A_11)
    %eq3A_12 = arith.constant 0 : i32
    %eq3A_13 = arith.cmpi eq, %arg1, %eq3A_12 : i32
    %convert_element_type3A_14 = arith.extui %eq3A_13 : i1 to i32
    %cond3A_15 = arith.constant 0 : i32
    %cond3A_16 = arith.cmpi ne, %convert_element_type3A_14, %cond3A_15 : i32
    scf.if %cond3A_16 {
      "tpu.region"() ({
        %run_scoped3A = tpu.sem_alloc : memref<!tpu.dma_semaphore, #tpu.memory_space<semaphore_mem>>
        %dma_start3A = arith.constant 0 : i32
        %dma_start3A_17 = arith.constant 0 : i32
        %dma_start3A_18 = tpu.memref_slice %arg6[%arg0, %dma_start3A, %dma_start3A_17] : memref<2x50000x16xf32, #tpu.memory_space<hbm>> -> memref<1x50000x16xf32, #tpu.memory_space<hbm>>
        %dma_start3A_19 = tpu.memref_squeeze %dma_start3A_18 : memref<1x50000x16xf32, #tpu.memory_space<hbm>> -> memref<50000x16xf32, #tpu.memory_space<hbm>>
        tpu.enqueue_dma source(%arg12 : memref<50000x16xf32, #tpu.memory_space<vmem_shared>>) target(%dma_start3A_19 : memref<50000x16xf32, #tpu.memory_space<hbm>>) target_semaphore(%run_scoped3A : memref<!tpu.dma_semaphore, #tpu.memory_space<semaphore_mem>>)
        %dma_wait3A = arith.constant 0 : i32
        %dma_wait3A_20 = arith.constant 0 : i32
        %dma_wait3A_21 = tpu.memref_slice %arg6[%arg0, %dma_wait3A, %dma_wait3A_20] : memref<2x50000x16xf32, #tpu.memory_space<hbm>> -> memref<1x50000x16xf32, #tpu.memory_space<hbm>>
        %dma_wait3A_22 = tpu.memref_squeeze %dma_wait3A_21 : memref<1x50000x16xf32, #tpu.memory_space<hbm>> -> memref<50000x16xf32, #tpu.memory_space<hbm>>
        tpu.wait_dma2 semaphore(%run_scoped3A : memref<!tpu.dma_semaphore, #tpu.memory_space<semaphore_mem>>) src(%arg12 : memref<50000x16xf32, #tpu.memory_space<vmem_shared>>) dst(%dma_wait3A_22 : memref<50000x16xf32, #tpu.memory_space<hbm>>)
        tpu.yield
      }) : () -> ()
    } else {
    }
    return
  }
}

module attributes {stable_mosaic.version = 14 : i64} {
  func.func @_tc1_body(%arg0: i32, %arg1: memref<400x1433xf32, #tpu.memory_space<vmem>>, %arg2: memref<1433x64xf32, #tpu.memory_space<vmem>>, %arg3: memref<64x8xf32, #tpu.memory_space<vmem>>, %arg4: memref<64x8xf32, #tpu.memory_space<vmem>>, %arg5: memref<2x400x32xf32, #tpu.memory_space<vmem>>, %arg6: memref<400x16xf32, #tpu.memory_space<vmem>>) attributes {dimension_semantics = [#tpu.dimension_semantics<arbitrary>], iteration_bounds = array<i64: 125>, scalar_prefetch = 0 : i64, scratch_operands = 0 : i64, tpu.core_type = #tpu.core_type<tc>, window_params = [{transform_indices = @transform_0, window_bounds = array<i64: 400, 1433>}, {pipeline_mode = #tpu.pipeline_mode<synchronous>, transform_indices = @transform_1, window_bounds = array<i64: 1433, 64>}, {pipeline_mode = #tpu.pipeline_mode<synchronous>, transform_indices = @transform_2, window_bounds = array<i64: 64, 8>}, {pipeline_mode = #tpu.pipeline_mode<synchronous>, transform_indices = @transform_3, window_bounds = array<i64: 64, 8>}, {transform_indices = @transform_4, window_bounds = array<i64: 2, 400, 32>}, {transform_indices = @transform_5, window_bounds = array<i64: 400, 16>}]} {
    %get3A = arith.constant 0 : index
    %get3A_0 = arith.constant 0 : index
    %get3A_1 = vector.load %arg1[%get3A, %get3A_0] : memref<400x1433xf32, #tpu.memory_space<vmem>>, vector<400x1433xf32>
    %get3A_2 = arith.constant 0 : index
    %get3A_3 = arith.constant 0 : index
    %get3A_4 = vector.load %arg2[%get3A_2, %get3A_3] : memref<1433x64xf32, #tpu.memory_space<vmem>>, vector<1433x64xf32>
    %dot_general3A = arith.constant dense<0.000000e+00> : vector<400x64xf32>
    %dot_general3A_5 = tpu.matmul %get3A_1, %get3A_4, %dot_general3A {dimension_numbers = #tpu.dot_dimension_numbers<[1], [0], [0], [1], [0, 0, 1, 1], [], []>, transpose_lhs_hint = false} : vector<400x1433xf32>, vector<1433x64xf32>, vector<400x64xf32> -> vector<400x64xf32>
    %slice3A = vector.extract_strided_slice %dot_general3A_5 {offsets = [0, 0], sizes = [400, 32], strides = [1, 1]} : vector<400x64xf32> to vector<400x32xf32>
    %swap3A = arith.constant 0 : index
    %swap3A_6 = arith.constant 0 : index
    %swap3A_7 = arith.constant 0 : index
    %swap3A_8 = vector.load %arg5[%swap3A, %swap3A_6, %swap3A_7] : memref<2x400x32xf32, #tpu.memory_space<vmem>>, vector<1x400x32xf32>
    %swap3A_9 = vector.shape_cast %swap3A_8 : vector<1x400x32xf32> to vector<400x32xf32>
    %swap3A_10 = vector.shape_cast %slice3A : vector<400x32xf32> to vector<1x400x32xf32>
    tpu.vector_store %arg5[%swap3A, %swap3A_6, %swap3A_7], %swap3A_10 {strides = array<i32>} : memref<2x400x32xf32, #tpu.memory_space<vmem>>, vector<1x400x32xf32>,
    %slice3A_11 = vector.extract_strided_slice %dot_general3A_5 {offsets = [0, 32], sizes = [400, 32], strides = [1, 1]} : vector<400x64xf32> to vector<400x32xf32>
    %swap3A_12 = arith.constant 1 : index
    %swap3A_13 = arith.constant 0 : index
    %swap3A_14 = arith.constant 0 : index
    %swap3A_15 = vector.load %arg5[%swap3A_12, %swap3A_13, %swap3A_14] : memref<2x400x32xf32, #tpu.memory_space<vmem>>, vector<1x400x32xf32>
    %swap3A_16 = vector.shape_cast %swap3A_15 : vector<1x400x32xf32> to vector<400x32xf32>
    %swap3A_17 = vector.shape_cast %slice3A_11 : vector<400x32xf32> to vector<1x400x32xf32>
    tpu.vector_store %arg5[%swap3A_12, %swap3A_13, %swap3A_14], %swap3A_17 {strides = array<i32>} : memref<2x400x32xf32, #tpu.memory_space<vmem>>, vector<1x400x32xf32>,
    %get3A_18 = arith.constant 0 : index
    %get3A_19 = arith.constant 0 : index
    %get3A_20 = vector.load %arg3[%get3A_18, %get3A_19] : memref<64x8xf32, #tpu.memory_space<vmem>>, vector<64x8xf32>
    %dot_general3A_21 = arith.constant dense<0.000000e+00> : vector<400x8xf32>
    %dot_general3A_22 = tpu.matmul %dot_general3A_5, %get3A_20, %dot_general3A_21 {dimension_numbers = #tpu.dot_dimension_numbers<[1], [0], [0], [1], [0, 0, 1, 1], [], []>, transpose_lhs_hint = false} : vector<400x64xf32>, vector<64x8xf32>, vector<400x8xf32> -> vector<400x8xf32>
    %get3A_23 = arith.constant 0 : index
    %get3A_24 = arith.constant 0 : index
    %get3A_25 = vector.load %arg4[%get3A_23, %get3A_24] : memref<64x8xf32, #tpu.memory_space<vmem>>, vector<64x8xf32>
    %dot_general3A_26 = arith.constant dense<0.000000e+00> : vector<400x8xf32>
    %dot_general3A_27 = tpu.matmul %dot_general3A_5, %get3A_25, %dot_general3A_26 {dimension_numbers = #tpu.dot_dimension_numbers<[1], [0], [0], [1], [0, 0, 1, 1], [], []>, transpose_lhs_hint = false} : vector<400x64xf32>, vector<64x8xf32>, vector<400x8xf32> -> vector<400x8xf32>
    %concatenate3A = tpu.concatenate %dot_general3A_22, %dot_general3A_27 in 1 : vector<400x8xf32>, vector<400x8xf32> -> vector<400x16xf32>
    %swap3A_28 = arith.constant 0 : index
    %swap3A_29 = arith.constant 0 : index
    %swap3A_30 = vector.load %arg6[%swap3A_28, %swap3A_29] : memref<400x16xf32, #tpu.memory_space<vmem>>, vector<400x16xf32>
    tpu.vector_store %arg6[%swap3A_28, %swap3A_29], %concatenate3A {strides = array<i32>} : memref<400x16xf32, #tpu.memory_space<vmem>>, vector<400x16xf32>,
    return
  }
  func.func @transform_0(%arg0: i32) -> (i32, i32) {
    %c0_i32 = arith.constant 0 : i32
    %c0_i32_0 = arith.constant 0 : i32
    return %arg0, %c0_i32 : i32, i32
  }
  func.func @transform_1(%arg0: i32) -> (i32, i32) {
    %c0_i32 = arith.constant 0 : i32
    %c0_i32_0 = arith.constant 0 : i32
    %c0_i32_1 = arith.constant 0 : i32
    return %c0_i32, %c0_i32_0 : i32, i32
  }
  func.func @transform_2(%arg0: i32) -> (i32, i32) {
    %c0_i32 = arith.constant 0 : i32
    %c0_i32_0 = arith.constant 0 : i32
    %c0_i32_1 = arith.constant 0 : i32
    return %c0_i32, %c0_i32_0 : i32, i32
  }
  func.func @transform_3(%arg0: i32) -> (i32, i32) {
    %c0_i32 = arith.constant 0 : i32
    %c0_i32_0 = arith.constant 0 : i32
    %c0_i32_1 = arith.constant 0 : i32
    return %c0_i32, %c0_i32_0 : i32, i32
  }
  func.func @transform_4(%arg0: i32) -> (i32, i32, i32) {
    %c0_i32 = arith.constant 0 : i32
    %c0_i32_0 = arith.constant 0 : i32
    %c0_i32_1 = arith.constant 0 : i32
    return %c0_i32, %arg0, %c0_i32_0 : i32, i32, i32
  }
  func.func @transform_5(%arg0: i32) -> (i32, i32) {
    %c0_i32 = arith.constant 0 : i32
    %c0_i32_0 = arith.constant 0 : i32
    return %arg0, %c0_i32 : i32, i32
  }
}

module attributes {stable_mosaic.version = 14 : i64} {
  func.func @_tc2_body(%arg0: i32, %arg1: memref<2x400x32xf32, #tpu.memory_space<vmem>>, %arg2: memref<2x400x16xf32, #tpu.memory_space<vmem>>, %arg3: memref<64x7xf32, #tpu.memory_space<vmem>>, %arg4: memref<1x7xf32, #tpu.memory_space<vmem>>, %arg5: memref<1x7xf32, #tpu.memory_space<vmem>>, %arg6: memref<8x64xf32, #tpu.memory_space<vmem>>, %arg7: memref<400x16xf32, #tpu.memory_space<vmem>>) attributes {dimension_semantics = [#tpu.dimension_semantics<arbitrary>], iteration_bounds = array<i64: 125>, scalar_prefetch = 0 : i64, scratch_operands = 0 : i64, tpu.core_type = #tpu.core_type<tc>, window_params = [{transform_indices = @transform_0, window_bounds = array<i64: 2, 400, 32>}, {transform_indices = @transform_1, window_bounds = array<i64: 2, 400, 16>}, {pipeline_mode = #tpu.pipeline_mode<synchronous>, transform_indices = @transform_2, window_bounds = array<i64: 64, 7>}, {pipeline_mode = #tpu.pipeline_mode<synchronous>, transform_indices = @transform_3, window_bounds = array<i64: 1, 7>}, {pipeline_mode = #tpu.pipeline_mode<synchronous>, transform_indices = @transform_4, window_bounds = array<i64: 1, 7>}, {pipeline_mode = #tpu.pipeline_mode<synchronous>, transform_indices = @transform_5, window_bounds = array<i64: 8, 64>}, {transform_indices = @transform_6, window_bounds = array<i64: 400, 16>}]} {
    %get3A = arith.constant 0 : index
    %get3A_0 = arith.constant 0 : index
    %get3A_1 = arith.constant 0 : index
    %get3A_2 = vector.load %arg1[%get3A, %get3A_0, %get3A_1] : memref<2x400x32xf32, #tpu.memory_space<vmem>>, vector<1x400x32xf32>
    %get3A_3 = vector.shape_cast %get3A_2 : vector<1x400x32xf32> to vector<400x32xf32>
    %get3A_4 = arith.constant 1 : index
    %get3A_5 = arith.constant 0 : index
    %get3A_6 = arith.constant 0 : index
    %get3A_7 = vector.load %arg1[%get3A_4, %get3A_5, %get3A_6] : memref<2x400x32xf32, #tpu.memory_space<vmem>>, vector<1x400x32xf32>
    %get3A_8 = vector.shape_cast %get3A_7 : vector<1x400x32xf32> to vector<400x32xf32>
    %concatenate3A = tpu.concatenate %get3A_3, %get3A_8 in 1 : vector<400x32xf32>, vector<400x32xf32> -> vector<400x64xf32>
    %get3A_9 = arith.constant 0 : index
    %get3A_10 = arith.constant 0 : index
    %get3A_11 = arith.constant 0 : index
    %get3A_12 = vector.load %arg2[%get3A_9, %get3A_10, %get3A_11] : memref<2x400x16xf32, #tpu.memory_space<vmem>>, vector<1x400x8xf32>
    %get3A_13 = vector.shape_cast %get3A_12 : vector<1x400x8xf32> to vector<400x8xf32>
    %get3A_14 = arith.constant 1 : index
    %get3A_15 = arith.constant 0 : index
    %get3A_16 = arith.constant 0 : index
    %get3A_17 = vector.load %arg2[%get3A_14, %get3A_15, %get3A_16] : memref<2x400x16xf32, #tpu.memory_space<vmem>>, vector<1x400x8xf32>
    %get3A_18 = vector.shape_cast %get3A_17 : vector<1x400x8xf32> to vector<400x8xf32>
    %add3A = arith.addf %get3A_13, %get3A_18 : vector<400x8xf32>
    %get3A_19 = arith.constant 0 : index
    %get3A_20 = arith.constant 0 : index
    %get3A_21 = vector.load %arg6[%get3A_19, %get3A_20] : memref<8x64xf32, #tpu.memory_space<vmem>>, vector<8x64xf32>
    %dot_general3A = arith.constant dense<0.000000e+00> : vector<400x64xf32>
    %dot_general3A_22 = tpu.matmul %add3A, %get3A_21, %dot_general3A {dimension_numbers = #tpu.dot_dimension_numbers<[1], [0], [0], [1], [0, 0, 1, 1], [], []>, transpose_lhs_hint = false} : vector<400x8xf32>, vector<8x64xf32>, vector<400x64xf32> -> vector<400x64xf32>
    %add3A_23 = arith.constant 9.99999971E-10 : f32
    %add3A_24 = vector.broadcast %add3A_23 : f32 to vector<400x64xf32>
    %add3A_25 = arith.addf %dot_general3A_22, %add3A_24 : vector<400x64xf32>
    %div3A = arith.divf %concatenate3A, %add3A_25 : vector<400x64xf32>
    %gt3A = arith.constant 0.000000e+00 : f32
    %gt3A_26 = vector.broadcast %gt3A : f32 to vector<400x64xf32>
    %gt3A_27 = arith.cmpf ogt, %div3A, %gt3A_26 : vector<400x64xf32>
    %exp3A = math.exp %div3A : vector<400x64xf32>
    %sub3A = arith.constant 1.000000e+00 : f32
    %sub3A_28 = vector.broadcast %sub3A : f32 to vector<400x64xf32>
    %sub3A_29 = arith.subf %exp3A, %sub3A_28 : vector<400x64xf32>
    %select_n3A = arith.select %gt3A_27, %div3A, %sub3A_29 : vector<400x64xi1>, vector<400x64xf32>
    %get3A_30 = arith.constant 0 : index
    %get3A_31 = arith.constant 0 : index
    %get3A_32 = vector.load %arg3[%get3A_30, %get3A_31] : memref<64x7xf32, #tpu.memory_space<vmem>>, vector<64x7xf32>
    %dot_general3A_33 = arith.constant dense<0.000000e+00> : vector<400x7xf32>
    %dot_general3A_34 = tpu.matmul %select_n3A, %get3A_32, %dot_general3A_33 {dimension_numbers = #tpu.dot_dimension_numbers<[1], [0], [0], [1], [0, 0, 1, 1], [], []>, transpose_lhs_hint = false} : vector<400x64xf32>, vector<64x7xf32>, vector<400x7xf32> -> vector<400x7xf32>
    %get3A_35 = arith.constant 0 : index
    %get3A_36 = arith.constant 0 : index
    %get3A_37 = vector.load %arg4[%get3A_35, %get3A_36] : memref<1x7xf32, #tpu.memory_space<vmem>>, vector<1x7xf32>
    %mul3A = vector.broadcast %get3A_37 : vector<1x7xf32> to vector<400x7xf32>
    %mul3A_38 = arith.mulf %dot_general3A_34, %mul3A : vector<400x7xf32>
    %reduce_sum3A = arith.constant dense<0.000000e+00> : vector<400xf32>
    %reduce_sum3A_39 = vector.multi_reduction <add>, %mul3A_38, %reduce_sum3A [1] : vector<400x7xf32> to vector<400xf32>
    %broadcast_in_dim3A = vector.shape_cast %reduce_sum3A_39 : vector<400xf32> to vector<400x1xf32>
    %get3A_40 = arith.constant 0 : index
    %get3A_41 = arith.constant 0 : index
    %get3A_42 = vector.load %arg5[%get3A_40, %get3A_41] : memref<1x7xf32, #tpu.memory_space<vmem>>, vector<1x7xf32>
    %mul3A_43 = vector.broadcast %get3A_42 : vector<1x7xf32> to vector<400x7xf32>
    %mul3A_44 = arith.mulf %dot_general3A_34, %mul3A_43 : vector<400x7xf32>
    %reduce_sum3A_45 = arith.constant dense<0.000000e+00> : vector<400xf32>
    %reduce_sum3A_46 = vector.multi_reduction <add>, %mul3A_44, %reduce_sum3A_45 [1] : vector<400x7xf32> to vector<400xf32>
    %broadcast_in_dim3A_47 = vector.shape_cast %reduce_sum3A_46 : vector<400xf32> to vector<400x1xf32>
    %broadcast_in_dim3A_48 = arith.constant 0.000000e+00 : f32
    %broadcast_in_dim3A_49 = vector.broadcast %broadcast_in_dim3A_48 : f32 to vector<400x7xf32>
    %concatenate3A_50 = tpu.concatenate %dot_general3A_34, %broadcast_in_dim3A, %broadcast_in_dim3A_47, %broadcast_in_dim3A_49 in 1 : vector<400x7xf32>, vector<400x1xf32>, vector<400x1xf32>, vector<400x7xf32> -> vector<400x16xf32>
    %swap3A = arith.constant 0 : index
    %swap3A_51 = arith.constant 0 : index
    %swap3A_52 = vector.load %arg7[%swap3A, %swap3A_51] : memref<400x16xf32, #tpu.memory_space<vmem>>, vector<400x16xf32>
    tpu.vector_store %arg7[%swap3A, %swap3A_51], %concatenate3A_50 {strides = array<i32>} : memref<400x16xf32, #tpu.memory_space<vmem>>, vector<400x16xf32>,
    return
  }
  func.func @transform_0(%arg0: i32) -> (i32, i32, i32) {
    %c0_i32 = arith.constant 0 : i32
    %c0_i32_0 = arith.constant 0 : i32
    %c0_i32_1 = arith.constant 0 : i32
    return %c0_i32, %arg0, %c0_i32_0 : i32, i32, i32
  }
  func.func @transform_1(%arg0: i32) -> (i32, i32, i32) {
    %c0_i32 = arith.constant 0 : i32
    %c0_i32_0 = arith.constant 0 : i32
    %c0_i32_1 = arith.constant 0 : i32
    return %c0_i32, %arg0, %c0_i32_0 : i32, i32, i32
  }
  func.func @transform_2(%arg0: i32) -> (i32, i32) {
    %c0_i32 = arith.constant 0 : i32
    %c0_i32_0 = arith.constant 0 : i32
    %c0_i32_1 = arith.constant 0 : i32
    return %c0_i32, %c0_i32_0 : i32, i32
  }
  func.func @transform_3(%arg0: i32) -> (i32, i32) {
    %c0_i32 = arith.constant 0 : i32
    %c0_i32_0 = arith.constant 0 : i32
    %c0_i32_1 = arith.constant 0 : i32
    return %c0_i32, %c0_i32_0 : i32, i32
  }
  func.func @transform_4(%arg0: i32) -> (i32, i32) {
    %c0_i32 = arith.constant 0 : i32
    %c0_i32_0 = arith.constant 0 : i32
    %c0_i32_1 = arith.constant 0 : i32
    return %c0_i32, %c0_i32_0 : i32, i32
  }
  func.func @transform_5(%arg0: i32) -> (i32, i32) {
    %c0_i32 = arith.constant 0 : i32
    %c0_i32_0 = arith.constant 0 : i32
    %c0_i32_1 = arith.constant 0 : i32
    return %c0_i32, %c0_i32_0 : i32, i32
  }
  func.func @transform_6(%arg0: i32) -> (i32, i32) {
    %c0_i32 = arith.constant 0 : i32
    %c0_i32_0 = arith.constant 0 : i32
    return %arg0, %c0_i32 : i32, i32
  }
}

module attributes {stable_mosaic.version = 14 : i64} {
  func.func @_tc3_body(%arg0: i32, %arg1: memref<2x400x16xf32, #tpu.memory_space<vmem>>, %arg2: memref<400x7xf32, #tpu.memory_space<vmem>>) attributes {dimension_semantics = [#tpu.dimension_semantics<arbitrary>], iteration_bounds = array<i64: 125>, scalar_prefetch = 0 : i64, scratch_operands = 0 : i64, tpu.core_type = #tpu.core_type<tc>, window_params = [{transform_indices = @transform_0, window_bounds = array<i64: 2, 400, 16>}, {transform_indices = @transform_1, window_bounds = array<i64: 400, 7>}]} {
    %get3A = arith.constant 0 : index
    %get3A_0 = arith.constant 0 : index
    %get3A_1 = arith.constant 0 : index
    %get3A_2 = vector.load %arg1[%get3A, %get3A_0, %get3A_1] : memref<2x400x16xf32, #tpu.memory_space<vmem>>, vector<1x400x16xf32>
    %get3A_3 = vector.shape_cast %get3A_2 : vector<1x400x16xf32> to vector<400x16xf32>
    %get3A_4 = arith.constant 1 : index
    %get3A_5 = arith.constant 0 : index
    %get3A_6 = arith.constant 0 : index
    %get3A_7 = vector.load %arg1[%get3A_4, %get3A_5, %get3A_6] : memref<2x400x16xf32, #tpu.memory_space<vmem>>, vector<1x400x16xf32>
    %get3A_8 = vector.shape_cast %get3A_7 : vector<1x400x16xf32> to vector<400x16xf32>
    %add3A = arith.addf %get3A_3, %get3A_8 : vector<400x16xf32>
    %slice3A = vector.extract_strided_slice %add3A {offsets = [0, 0], sizes = [400, 7], strides = [1, 1]} : vector<400x16xf32> to vector<400x7xf32>
    %slice3A_9 = vector.extract_strided_slice %add3A {offsets = [0, 7], sizes = [400, 1], strides = [1, 1]} : vector<400x16xf32> to vector<400x1xf32>
    %add3A_10 = arith.constant 9.99999971E-10 : f32
    %add3A_11 = vector.broadcast %add3A_10 : f32 to vector<400x1xf32>
    %add3A_12 = arith.addf %slice3A_9, %add3A_11 : vector<400x1xf32>
    %div3A = vector.broadcast %add3A_12 : vector<400x1xf32> to vector<400x7xf32>
    %div3A_13 = arith.divf %slice3A, %div3A : vector<400x7xf32>
    %swap3A = arith.constant 0 : index
    %swap3A_14 = arith.constant 0 : index
    %swap3A_15 = vector.load %arg2[%swap3A, %swap3A_14] : memref<400x7xf32, #tpu.memory_space<vmem>>, vector<400x7xf32>
    tpu.vector_store %arg2[%swap3A, %swap3A_14], %div3A_13 {strides = array<i32>} : memref<400x7xf32, #tpu.memory_space<vmem>>, vector<400x7xf32>,
    return
  }
  func.func @transform_0(%arg0: i32) -> (i32, i32, i32) {
    %c0_i32 = arith.constant 0 : i32
    %c0_i32_0 = arith.constant 0 : i32
    %c0_i32_1 = arith.constant 0 : i32
    return %c0_i32, %arg0, %c0_i32_0 : i32, i32, i32
  }
  func.func @transform_1(%arg0: i32) -> (i32, i32) {
    %c0_i32 = arith.constant 0 : i32
    %c0_i32_0 = arith.constant 0 : i32
    return %arg0, %c0_i32 : i32, i32
  }
}

</mosaic_0001>

<sc_bundles>
// kernel: kernel.11.cloned.1.call-start
scs
__scs_entry_jumppad:
0x0: {  	(pc) =	sbr.rel $0x88, $3  }
0x1: {  	(tag) =	ssettag $0x0;
	lr =	simm.s32 $0x1  }
0x2: {  	[smem:$0x3F99] =	sst lr;
	_ =	strace $0xD0000000  }
0x3: {  	_ = 	snop  }
0x4: {  	_ = 	snop  }
0x5: {  	_ = 	snop  }
0x6: {  	_ = 	snop  }
0x7: {  	_ = 	snop  }
__scs_overlays_trampoline_lowered:
0x8: {  	[smem:$0x3FA8] =	sst s0  }
0x9: {  	[smem:$0x3FA9] =	sst s1  }
0xa: {  	[smem:$0x3FAA] =	sst s2  }
0xb: {  	[smem:$0x3FAB] =	sst s3  }
0xc: {  	[smem:$0x3FAC] =	sst s4  }
0xd: {  	[smem:$0x3FAD] =	sst s5  }
0xe: {  	[smem:$0x3FAE] =	sst s6  }
0xf: {  	[smem:$0x3FAF] =	sst s7  }
0x10: {  	[smem:$0x3FB0] =	sst s8  }
0x11: {  	[smem:$0x3FB1] =	sst s9;
	s0 =	simm.s32 @!p0 $0x0  }
0x12: {  	s1 =	sld [smem:$0x3F97];
	s0 =	simm.s32 @p0 $0x1  }
0x13: {  	[smem:$0x3FB2] =	sst s0;
	s0 =	simm.s32 @!p1 $0x0  }
0x14: {  	s2 =	sld [smem:$0x3F96];
	s0 =	simm.s32 @p1 $0x1  }
0x15: {  	[smem:$0x3FB3] =	sst s0;
	s0 =	simm.s32 @!p2 $0x0  }
0x16: {  	s3 =	sld [smem:$0x3FDB];
	s0 =	simm.s32 @p2 $0x1  }
0x17: {  	s4 =	simm.s32 $0x1BF5;
	[smem:$0x3FB5] =	sst s0  }
0x18: {  	s0 =	sld [smem:$0x3F98];
	_ =	swait.ge [sflag:s4], $0x0  }
0x19: {  	s7 =	sld [smem:$0x3F99]  }
0x1a: {  	s8 =	sadd.s32 $0xFFFFE003, lr  }
0x1b: {  	s9 =	sadd.s32 $0xFFFFFEF7, lr;
	s5 =	simm.s32 $0xFFFFFFFF;
	p2 =	slt.u32 s8, $0xFFFFF086  }
0x1c: {  	p1 =	slt.u32 s9, $0xF7A;
	s5 =	simm.s32 @!p2 $0x0  }
0x1d: {  	s5 =	simm.s32 @p1 $0x1;
	p0 =	seq.s32 s7, s2  }
0x1e: {  	s7 =	smul.u32 @!p0 $0xF7A, s2;
	p2 =	seq.s32 @!p0 s5, $0x0  }
0x1f: {  	s9 =	smul.u32 $0xF7A, s1;
	s8 =	simm.s32 @!p0 $0x1BF5;
	p2 =	por !p2, p0  }
0x20: {  	[sflag:s8] =	ssyncset.s32 @!p0 $0xFFFFF086;
	s6 =	sadd.s32 @!p0 s3, s7;
	s7 =	simm.s32 @!p0 $0x108  }
0x21: {  	s3 =	sadd.s32 s3, s9;
	s6 =	sadd.s32 @!p0 $0x88, s6;
	s7 =	simm.s32 @p2 $0x1082  }
0x22: {  	[simem:s7], [sflag:s8] =	dma.local @!p0 [hbm:s6], $0xF7A  }
0x23: {  	s9 =	sor.u32 $0xD0000000, s2;
	s6 =	simm.s32 $0x108;
	_ =	swait.ge @!p0 [sflag:s8], $0x0  }
0x24: {  	s3 =	sadd.s32 $0x88, s3;
	s6 =	simm.s32 @!p1 $0x1082;
	[sflag:s4] =	ssyncset.s32 $0xFFFFF086  }
0x25: {  	[simem:s6], [sflag:s4] =	dma.local [hbm:s3], $0xF7A  }
0x26: {  	[smem:$0x3F99] =	sst s1;
	(tag) =	ssettag s2;
	_ =	strace s9  }
0x27: {  	s1 =	sld [smem:$0x3FA9]  }
0x28: {  	s2 =	sld [smem:$0x3FAA]  }
0x29: {  	s4 =	sld [smem:$0x3FAC]  }
0x2a: {  	p0 =	seq.s32 s5, $0x0;
	s5 =	sld [smem:$0x3FAD]  }
0x2b: {  	s6 =	sld [smem:$0x3FAE]  }
0x2c: {  	s7 =	sld [smem:$0x3FAF]  }
0x2d: {  	s3 =	simm.s32 $0x108;
	s8 =	sld [smem:$0x3FB0]  }
0x2e: {  	s3 =	simm.s32 @!p0 $0x1082;
	s9 =	sld [smem:$0x3FB1]  }
0x2f: {  	lr =	sadd.s32 s0, s3;
	s0 =	sld [smem:$0x3FA8]  }
0x30: {  	s3 =	sld [smem:$0x3FAB]  }
0x31: {  	[smem:$0x3FB4] =	sst s10  }
0x32: {  	s10 =	sld [smem:$0x3FB2];
	_ =	sdelay $0x3  }
0x33: {  	p0 =	seq.s32 s10, $0x1;
	s10 =	sld [smem:$0x3FB4];
	_ =	sdelay $0x3  }
0x34: {  	[smem:$0x3FB4] =	sst s10  }
0x35: {  	s10 =	sld [smem:$0x3FB3];
	_ =	sdelay $0x3  }
0x36: {  	p1 =	seq.s32 s10, $0x1;
	s10 =	sld [smem:$0x3FB4];
	_ =	sdelay $0x3  }
0x37: {  	[smem:$0x3FB4] =	sst s10  }
0x38: {  	s10 =	sld [smem:$0x3FB5]  }
0x39: {  	_ = 	snop;
	(pc) =	sbr.ind lr, $3  }
0x3a: {  	_ = 	snop  }
0x3b: {  	_ = 	snop  }
0x3c: {  	p2 =	seq.s32 s10, $0x1;
	s10 =	sld [smem:$0x3FB4]  }
0x3d: {  	_ =	shalt  }
0x3e: {  	_ =	shalt  }
0x3f: {  	_ =	shalt  }
0x40: {  	_ =	shalt  }
0x41: {  	_ =	shalt  }
0x42: {  	_ =	shalt  }
0x43: {  	_ =	shalt  }
0x44: {  	_ =	shalt  }
0x45: {  	_ =	shalt  }
0x46: {  	_ =	shalt  }
0x47: {  	_ =	shalt  }
0x48: {  	_ =	shalt  }
0x49: {  	_ =	shalt  }
0x4a: {  	_ =	shalt  }
0x4b: {  	_ =	shalt  }
0x4c: {  	_ =	shalt  }
0x4d: {  	_ =	shalt  }
0x4e: {  	_ =	shalt  }
0x4f: {  	_ =	shalt  }
0x50: {  	_ =	shalt  }
0x51: {  	_ =	shalt  }
0x52: {  	_ =	shalt  }
0x53: {  	_ =	shalt  }
0x54: {  	_ =	shalt  }
0x55: {  	_ =	shalt  }
0x56: {  	_ =	shalt  }
0x57: {  	_ =	shalt  }
0x58: {  	_ =	shalt  }
0x59: {  	_ =	shalt  }
0x5a: {  	_ =	shalt  }
0x5b: {  	_ =	shalt  }
0x5c: {  	_ =	shalt  }
0x5d: {  	_ =	shalt  }
0x5e: {  	_ =	shalt  }
0x5f: {  	_ =	shalt  }
0x60: {  	_ =	shalt  }
0x61: {  	_ =	shalt  }
0x62: {  	_ =	shalt  }
0x63: {  	_ =	shalt  }
0x64: {  	_ =	shalt  }
0x65: {  	_ =	shalt  }
0x66: {  	_ =	shalt  }
0x67: {  	_ =	shalt  }
0x68: {  	_ =	shalt  }
0x69: {  	_ =	shalt  }
0x6a: {  	_ =	shalt  }
0x6b: {  	_ =	shalt  }
0x6c: {  	_ =	shalt  }
0x6d: {  	_ =	shalt  }
0x6e: {  	_ =	shalt  }
0x6f: {  	_ =	shalt  }
0x70: {  	_ =	shalt  }
0x71: {  	_ =	shalt  }
0x72: {  	_ =	shalt  }
0x73: {  	_ =	shalt  }
0x74: {  	_ =	shalt  }
0x75: {  	_ =	shalt  }
0x76: {  	_ =	shalt  }
0x77: {  	_ =	shalt  }
0x78: {  	_ =	shalt  }
0x79: {  	_ =	shalt  }
0x7a: {  	_ =	shalt  }
0x7b: {  	_ =	shalt  }
0x7c: {  	_ =	shalt  }
0x7d: {  	_ =	shalt  }
0x7e: {  	_ =	shalt  }
0x7f: {  	_ =	shalt  }
0x80: {  	_ =	shalt  }
0x81: {  	_ =	shalt  }
0x82: {  	_ =	shalt  }
0x83: {  	_ =	shalt  }
0x84: {  	_ =	shalt  }
0x85: {  	_ =	shalt  }
0x86: {  	_ =	shalt  }
0x87: {  	_ =	shalt  }
.Lfunc_end0:
.L_simem_size_0:
called_computation.1_lowered:
.L_overlay_start_0:
0x88: {  	s2 =	sld [smem:$0x3FD9]  }
0x89: {  	s3 =	sld [smem:$0x3FFE];
	_ =	sdelay $0x1  }
0x8a: {  	s1 =	srdreg.scid  }
0x8b: {  	s0 =	sand.u32 $0x1, s1  }
0x8c: {  	s16 =	sshll.u32 s0, $0xA;
	s2 =	sadd.s32 s3, s2  }
0x8d: {  	s2 =	sadd.s32 s2, s16  }
0x8e: {  	[smem:$0x3FC0] =	sst s2  }
0x8f: {  	_ = 	snop  }
0x90: {  	(tm) =	ssettm $0x1  }
0x91: {  	s17 =	sld [smem:$0x3FFB];
	_ =	sdelay $0x3  }
0x92: {  	_ =	strace s17  }
0x93: {  	s2 =	sld [smem:$0x3FFC];
	_ =	sdelay $0x3  }
0x94: {  	_ =	strace s2  }
0x95: {  	s2 =	sld [smem:$0x3FFD];
	_ =	sdelay $0x3  }
0x96: {  	_ =	strace s2  }
0x97: {  	_ =	strace $0x8FFFFFFF  }
0x98: {  	s18 =	sld [smem:$0x3FDB];
	_ =	sdelay $0x1  }
0x99: {  	s19 =	simm.s32 $_scs_section_size  }
0x9a: {  	s4 =	simm.s32 $_size__tile_overlayer_lowered;
	s5 =	simm.s32 $_tile_overlayer_lowered  }
0x9b: {  	s22 =	simm.s32 $0x1BFF;
	s21 =	sshll.u32 s5, $0x1;
	s2 =	sadd.s32 s19, s18  }
0x9c: {  	s6 =	simm.s32 $0x0;
	s20 =	sshll.u32 s4, $0x1;
	s4 =	sadd.s32 s21, s2  }
0x9d: {  	[timem:s6], [sflag:s22] =	dma.local [hbm:s4], s20  }
0x9e: {  	_ =	swait.ge [sflag:s22], s20  }
0x9f: {  	s3 =	ssub.s32 $0x0, s20;
	[sflag:s22] =	ssyncset.done $0x0  }
0xa0: {  	[sflag:s22] =	ssyncadd.s32 s3;
	_ =	sdelay $0x1  }
0xa1: {  	s23 =	simm.s32 $0x1B8B  }
0xa2: {  	_ =	swait.ge [sflag:s23], $0x1  }
0xa3: {  	[sflag:s23] =	ssyncset.done $0x0  }
0xa4: {  	s25 =	simm.s32 $0x1B8E;
	s24 =	sld [smem:$0x3FFE];
	[sflag:s23] =	ssyncadd.s32 $0xFFFFFFFF  }
0xa5: {  	s26 =	simm.s32 $execute0_lowered;
	[smem:$0x3FD2] =	sst s25  }
0xa6: {  	s4 =	sshll.u32 s26, $0x1;
	_ =	strace $0x80000049;
	[dreg:$0x1] =	wrdreg $0xFFFFFFFF  }
0xa7: {  	s28 =	simm.s32 $_size_execute0_lowered;
	s2 =	sadd.s32 s2, s4;
	[dreg:$0x0] =	wrdreg $0x0  }
0xa8: {  	s4 =	sshll.u32 s28, $0x1;
	[dreg:$0x2] =	wrdreg s2  }
0xa9: {  	[dreg:$0x3] =	wrdreg s4  }
0xaa: {  	[dreg:$0x4] =	wrdreg $0xC0  }
0xab: {  	_ =	task [dreg:s6], $0x5FFFF  }
0xac: {  	[dreg:$0x1] =	wrdreg $0xFFFFFFFF  }
0xad: {  	[dreg:$0x0] =	wrdreg $0x60  }
0xae: {  	[dreg:$0x2] =	wrdreg s24  }
0xaf: {  	[dreg:$0x3] =	wrdreg $0x19F00  }
0xb0: {  	[dreg:$0x4] =	wrdreg $0x9  }
0xb1: {  	_ =	task.clear_ibuf [dreg:s6], $0x5FFFF;
	_ =	strace $0x90000049  }
0xb2: {  	s29 =	simm.s32 $0x9;
	_ =	strace $0x8000004B  }
0xb3: {  	_ =	swait.ge [sflag:s29], $0x1  }
0xb4: {  	[sflag:s29] =	ssyncadd.s32 $0xFFFFFFFF  }
0xb5: {  	_ =	strace $0x9000004B  }
0xb6: {  	_ =	sfence  }
0xb7: {  	s30 =	sld [smem:$0x0];
	_ =	sdelay $0x2  }
0xb8: {  	s31 =	sshll.u32 s1, $0xD;
	s1 =	sshrl.u32 s1, $0x2  }
0xb9: {  	s3 =	sand.u32 $0x4000, s31;
	s1 =	sadd.s32 s1, s30  }
0xba: {  	s0 =	sor.u32 s3, s0;
	s1 =	sshll.u32 s1, $0x11  }
0xbb: {  	s0 =	sor.u32 s1, s0  }
0xbc: {  	s0 =	sadd.s32 $0x8F2B, s0  }
0xbd: {  	[sflag:s0] =	ssyncadd.remote.s32 $0x1  }
0xbe: {  	_ =	sfence.sel $0xFFFF  }
0xbf: {  	[dreg:$0x0] =	wrdreg $0xFFFFFFFF;
	(pc) =	sbr.abs _section_cstart, $3  }
0xc0: {  	[dreg:$0x1] =	wrdreg $0xFFFFFFFF  }
0xc1: {  	_ =	task.clear_ibuf [dreg:s6], $0x2FFFF;
	_ =	strace $0x9FFFFFFF  }
0xc2: {  	(tm) =	ssettm $0x7FFFFFFF  }
0xc3: {  	_ =	shalt  }
tec
execute0_lowered:
.L_overlay_start_1:
0x0: {  	(tag) =	ssettag $0x1  }
0x1: {  	s8 =	rddreg [dreg:$0x0]  }
0x2: {  	s1 =	rddreg [dreg:$0x1]  }
0x3: {  	s0 =	rddreg [dreg:$0x2]  }
0x4: {  	s2 =	simm.s32 $0x0;
	s4 =	srdreg.scid;
	s12 =	stileid.u32  }
0x5: {  	s13 =	simm.s32 $0xA0;
	s14 =	simm.s32 $0x50;
	s15 =	simm.s32 $0xF0  }
0x6: {  	s18 =	simm.s32 $0xFF0;
	[smem:$0x7FF] =	sst s2;
	s3 =	sadd.s32 $0x4B600, s8  }
0x7: {  	s9 =	sand.u32 $0x1, s4;
	s4 =	sadd.s32 $0x1A800, s8;
	s5 =	sadd.s32 $0x3D2E00, s8  }
0x8: {  	v0 =	vlaneseq.u32;
	s6 =	sadd.s32 $0xC5A00, s8;
	s7 =	sadd.s32 $0x434A00, s8;
	p0 =	sne.s32 s12, $0x0  }
0x9: {  	v0 =	vshrl.u32 v0, $0x3;
	_ =	strace $0x8000004A;
	s10 =	smul.u32 $0x30D40, s9;
	s11 =	ssub.s32 $0x2, s9  }
0xa: {  	s16 =	sshll.u32 s9, $0x2;
	s17 =	smul.u32 $0xC350, s9;
	v1 =	vor.u32 $0x2, v0;
	s31 =	sshrl.u32 s11, $0x1  }
0xb: {  	v0 =	vor.u32 s16, v0;
	v1 =	vor.u32 s16, v1;
	s16 =	simm.s32 $0x1;
	s10 =	sadd.s32 s10, s8;
	s11 =	ssub.s32 s11, s31  }
0xc: {  	s8 =	smul.u32 $0x186A0, s12;
	s12 =	simm.s32 $0x2;
	v2 =	vmov s17;
	s17 =	simm.s32 $0xAF0  }
0xd: {  	s9 =	sadd.s32 $0x465800, s10;
	s10 =	smax.u32 s11, $0x1;
	s11 =	sshrl.u32 @!p0 s1, $0x3  }
.LBB2_1:
0xe: {  	s19 =	simm.s32 @!p0 $0x1C02  }
0xf: {  	[spmem:s11], [sflag:s19] =	dma.local @!p0 [hbm:s7], $0x30D40  }
0x10: {  	s19 =	simm.s32 @!p0 $0x2  }
0x11: {  	_ =	swait.ge @!p0 [sflag:s19], $0x30D40  }
0x12: {  	[sflag:s19] =	ssyncset.done @!p0 $0x0  }
0x13: {  	[sflag:s19] =	ssyncadd.s32 @!p0 $0xFFFCF2C0  }
0x14: {  	s19 =	simm.s32 $0x0;
	[bflag:$0x0] =	sbarrier.arrive $0xFFFF  }
.LBB2_2:
0x15: {  	s20 =	smul.u32 $0x50, s19;
	_ =	sdelay $0x1  }
0x16: {  	s20 =	sadd.s32 s8, s20  }
0x17: {  	s21 =	sshrl.u32 s20, $0x3  }
0x18: {  	s23 =	simm.s32 $0x0;
	s22 =	sadd.s32 s3, s21  }
0x19: {  	[tilespmem:s23], [sflag:$0x2] =	stream.linear.gather [hbm4b:s22+s23], $0x50, $0x38;
	[tilespmem:$0x1A090] =	vst v63  }
0x1a: {  	_ =	swait.ge [sflag:s12], $0x50  }
0x1b: {  	[sflag:s12] =	ssyncset.done $0x0  }
0x1c: {  	s21 =	sadd.s32 s4, s21;
	[sflag:s12] =	ssyncadd.s32 $0xFFFFFFB0  }
0x1d: {  	[tilespmem:s13], [sflag:$0x2] =	stream.linear.gather [hbm4b:s21+s23], $0x50, $0x38;
	[tilespmem:$0x1A090] =	vst v63  }
0x1e: {  	_ =	swait.ge [sflag:s12], $0x50  }
0x1f: {  	[sflag:s12] =	ssyncset.done $0x0  }
0x20: {  	[sflag:s12] =	ssyncadd.s32 $0xFFFFFFB0  }
0x21: {  	v3 =	vld [tilespmem:$0x0]  }
0x22: {  	v4 =	vld [tilespmem:$0x10]  }
0x23: {  	v5 =	vld [tilespmem:$0x20]  }
0x24: {  	v6 =	vld [tilespmem:$0x30]  }
0x25: {  	v7 =	vld [tilespmem:$0x40]  }
0x26: {  	v3 =	vadd.s32 v2, v3  }
0x27: {  	[tilespmem:$0x50] =	vst v3;
	v3 =	vadd.s32 v2, v4  }
0x28: {  	[tilespmem:$0x60] =	vst v3;
	v3 =	vadd.s32 v2, v5  }
0x29: {  	[tilespmem:$0x70] =	vst v3;
	v3 =	vadd.s32 v2, v6  }
0x2a: {  	[tilespmem:$0x80] =	vst v3;
	v3 =	vadd.s32 v2, v7  }
0x2b: {  	[tilespmem:$0x90] =	vst v3  }
0x2c: {  	[tilespmem:s15], [sflag:$0x1] =	stream.indirect.gather [hbm4b:s5+s14], $0x20, s14, s14, $0xb8;
	[tilespmem:$0x1A090] =	vst v63  }
0x2d: {  	_ =	swait.ge [sflag:s16], $0xA00  }
0x2e: {  	s31 =	simm.s32 $0x0;
	s20 =	sshll.u32 s20, $0x1;
	[sflag:s16] =	ssyncset.done $0x0  }
0x2f: {  	s20 =	sadd.s32 s6, s20;
	v3 =	vor.u32 s31, v0;
	[sflag:s16] =	ssyncadd.s32 $0xFFFFF600  }
0x30: {  	[tilespmem:s17], [sflag:$0x2] =	stream.linear.gather [hbm4b:s20+s23], $0x500, $0x38;
	[tilespmem:$0x1A090] =	vst v63  }
0x31: {  	_ =	swait.ge [sflag:s12], $0x500  }
0x32: {  	[sflag:s12] =	ssyncset.done $0x0  }
0x33: {  	[sflag:s12] =	ssyncadd.s32 $0xFFFFFB00  }
0x34: {  	s21 =	simm.s32 $0x100;
	v3 =	vld.idx.msk [tilespmem:v3+s17+$0x0], $0xffff  }
0x35: {  	v4 =	vld [tilespmem:s21+$0xFFFFFFF0];
	_ =	sdelay $0x1  }
0x36: {  	v5 =	vor.u32 s31, v1;
	_ =	sdelay $0x2  }
0x37: {  	v4 =	vmul.f32 v4, v3  }
0x38: {  	s20 =	simm.s32 $0x1000  }
0x39: {  	v3 =	vld.idx.msk [tilespmem:v5+s17+$0x0], $0xffff;
	[tilespmem:s20+$0xFFFFFFF0] =	vst v4  }
0x3a: {  	v4 =	vld [tilespmem:s21+$0x0];
	_ =	sdelay $0x1  }
0x3b: {  	s22 =	simm.s32 $0x2;
	s23 =	simm.s32 $0x10  }
.LBB2_3:
0x3c: {  	p1 =	sne.s32 s22, $0x4F;
	v5 =	vor.u32 s23, v0;
	_ =	sdelay $0x1  }
0x3d: {  	v6 =	vor.u32 s23, v1;
	v3 =	vmul.f32 v4, v3;
	_ =	sdelay $0x1  }
0x3e: {  	[tilespmem:s20+$0x0] =	vst v3  }
0x3f: {  	s21 =	sadd.s32 $0x20, s21;
	v4 =	vld.idx.msk [tilespmem:v5+s17+$0x0], $0xffff  }
0x40: {  	v5 =	vld [tilespmem:s21+$0xFFFFFFF0]  }
0x41: {  	v3 =	vld.idx.msk [tilespmem:v6+s17+$0x0], $0xffff;
	_ =	sdelay $0x3  }
0x42: {  	v4 =	vmul.f32 v5, v4  }
.Ltmp0:
0x43: {  	s20 =	sadd.s32 $0x20, s20;
	(pc) =	sbr.rel @p1 .LBB2_3-.Ltmp0, $3  }
0x44: {  	[tilespmem:s20+$0xFFFFFFF0] =	vst v4  }
0x45: {  	v4 =	vld [tilespmem:s21+$0x0];
	_ =	sdelay $0x1  }
0x46: {  	s23 =	sshll.u32 s22, $0x4;
	s22 =	sadd.s32 $0x1, s22  }
0x47: {  	v5 =	vor.u32 s23, v0;
	_ =	sdelay $0x1  }
0x48: {  	v3 =	vmul.f32 v4, v3;
	_ =	sdelay $0x1  }
0x49: {  	[tilespmem:s20+$0x0] =	vst v3  }
0x4a: {  	s21 =	sadd.s32 $0x20, s21;
	v3 =	vld.idx.msk [tilespmem:v5+s17+$0x0], $0xffff  }
0x4b: {  	v61 =	vld [tilespmem:s21+$0xFFFFFFF0];
	_ =	sdelay $0x1  }
0x4c: {  	v62 =	vor.u32 s23, v1;
	_ =	sdelay $0x2  }
0x4d: {  	v3 =	vmul.f32 v61, v3  }
0x4e: {  	s31 =	sadd.s32 $0x20, s20  }
0x4f: {  	v63 =	vld.idx.msk [tilespmem:v62+s17+$0x0], $0xffff;
	[tilespmem:s31+$0xFFFFFFF0] =	vst v3  }
0x50: {  	v3 =	vld [tilespmem:s21+$0x0];
	_ =	sdelay $0x4  }
0x51: {  	s19 =	sadd.s32 $0x1, s19;
	v3 =	vmul.f32 v3, v63  }
0x52: {  	p1 =	sne.s32 s19, $0x4E2  }
.Ltmp1:
0x53: {  	[tilespmem:s31+$0x0] =	vst v3;
	(pc) =	sbr.rel @p1 .LBB2_2-.Ltmp1, $4  }
0x54: {  	[spmem:s1] =	stream.indirect.scatter.add.f32 [tilespmem:s18], [sflag:$0x2], $0x20, s13, s14, $0xb8;
	[tilespmem:$0x1A090] =	vst v63  }
0x55: {  	_ =	swait.ge [sflag:s12], $0xA00  }
0x56: {  	[sflag:s12] =	ssyncset.done $0x0  }
0x57: {  	[sflag:s12] =	ssyncadd.s32 $0xFFFFF600  }
0x58: {  	[bflag:$0x0] =	sbarrier.arrive $0xFFFF;
	s19 =	simm.s32 @!p0 $0x1C02;
	s2 =	sadd.s32 $0x1, s2  }
0x59: {  	[hbm:s9], [sflag:s19] =	dma.local @!p0 [spmem:s11], $0x30D40  }
0x5a: {  	p1 =	sne.s32 s2, s10  }
.Ltmp2:
0x5b: {  	_ = 	snop;
	(pc) =	sbr.rel @p1 .LBB2_1-.Ltmp2, $4  }
0x5c: {  	s19 =	simm.s32 @!p0 $0x2  }
0x5d: {  	_ =	swait.ge @!p0 [sflag:s19], $0x30D40  }
0x5e: {  	[sflag:s19] =	ssyncset.done @!p0 $0x0  }
0x5f: {  	[sflag:s19] =	ssyncadd.s32 @!p0 $0xFFFCF2C0  }
0x60: {  	_ =	sfence.sel $0x180000  }
0x61: {  	[bflag:$0x0] =	sbarrier.arrive $0xFFFF  }
0x62: {  	_ =	strace $0x9000004A  }
0x63: {  	s0 =	sadd.s32 @!p0 $0x100000, s0;
	[bflag:$0x2] =	sbarrier.arrive $0xFFFF  }
0x64: {  	[sflag:s0] =	ssyncadd.tile.s32 @!p0 $0x1;
	_ =	shalt  }
.Lfunc_end2:
_tile_overlayer_lowered:
.L_overlay_start_2:
0x65: {  	(tag) =	ssettag $0x2  }
0x66: {  	s0 =	rddreg [dreg:$0x0];
	s2 =	stileid.u32  }
0x67: {  	s1 =	rddreg [dreg:$0x1];
	p0 =	sne.s32 s2, $0x0  }
0x68: {  	s3 =	rddreg [dreg:$0x2];
	[bflag:$0x3] =	sbarrier.arrive $0xFFFF;
	s2 =	simm.s32 @!p0 $0x1C02  }
0x69: {  	[timem:s3], [sflag:s2] =	dma.local @!p0 [hbm:s0], s1  }
0x6a: {  	s0 =	simm.s32 @!p0 $0x2  }
0x6b: {  	_ =	swait.ge @!p0 [sflag:s0], s1  }
0x6c: {  	s1 =	ssub.s32 @!p0 $0x0, s1;
	[sflag:s0] =	ssyncset.done @!p0 $0x0  }
0x6d: {  	[sflag:s0] =	ssyncadd.s32 @!p0 s1  }
0x6e: {  	[bflag:$0x3] =	sbarrier.arrive $0xFFFF  }
0x6f: {  	_ =	shalt  }

// kernel: kernel.14.cloned.1.call-start
scs
__scs_entry_jumppad:
0x0: {  	(pc) =	sbr.rel $0x88, $3  }
0x1: {  	(tag) =	ssettag $0x0;
	lr =	simm.s32 $0x1  }
0x2: {  	[smem:$0x3F99] =	sst lr;
	_ =	strace $0xD0000000  }
0x3: {  	_ = 	snop  }
0x4: {  	_ = 	snop  }
0x5: {  	_ = 	snop  }
0x6: {  	_ = 	snop  }
0x7: {  	_ = 	snop  }
__scs_overlays_trampoline_lowered:
0x8: {  	[smem:$0x3FA8] =	sst s0  }
0x9: {  	[smem:$0x3FA9] =	sst s1  }
0xa: {  	[smem:$0x3FAA] =	sst s2  }
0xb: {  	[smem:$0x3FAB] =	sst s3  }
0xc: {  	[smem:$0x3FAC] =	sst s4  }
0xd: {  	[smem:$0x3FAD] =	sst s5  }
0xe: {  	[smem:$0x3FAE] =	sst s6  }
0xf: {  	[smem:$0x3FAF] =	sst s7  }
0x10: {  	[smem:$0x3FB0] =	sst s8  }
0x11: {  	[smem:$0x3FB1] =	sst s9;
	s0 =	simm.s32 @!p0 $0x0  }
0x12: {  	s1 =	sld [smem:$0x3F97];
	s0 =	simm.s32 @p0 $0x1  }
0x13: {  	[smem:$0x3FB2] =	sst s0;
	s0 =	simm.s32 @!p1 $0x0  }
0x14: {  	s2 =	sld [smem:$0x3F96];
	s0 =	simm.s32 @p1 $0x1  }
0x15: {  	[smem:$0x3FB3] =	sst s0;
	s0 =	simm.s32 @!p2 $0x0  }
0x16: {  	s3 =	sld [smem:$0x3FDB];
	s0 =	simm.s32 @p2 $0x1  }
0x17: {  	s4 =	simm.s32 $0x1BF5;
	[smem:$0x3FB5] =	sst s0  }
0x18: {  	s0 =	sld [smem:$0x3F98];
	_ =	swait.ge [sflag:s4], $0x0  }
0x19: {  	s7 =	sld [smem:$0x3F99]  }
0x1a: {  	s8 =	sadd.s32 $0xFFFFE003, lr  }
0x1b: {  	s9 =	sadd.s32 $0xFFFFFEF7, lr;
	s5 =	simm.s32 $0xFFFFFFFF;
	p2 =	slt.u32 s8, $0xFFFFF086  }
0x1c: {  	p1 =	slt.u32 s9, $0xF7A;
	s5 =	simm.s32 @!p2 $0x0  }
0x1d: {  	s5 =	simm.s32 @p1 $0x1;
	p0 =	seq.s32 s7, s2  }
0x1e: {  	s7 =	smul.u32 @!p0 $0xF7A, s2;
	p2 =	seq.s32 @!p0 s5, $0x0  }
0x1f: {  	s9 =	smul.u32 $0xF7A, s1;
	s8 =	simm.s32 @!p0 $0x1BF5;
	p2 =	por !p2, p0  }
0x20: {  	[sflag:s8] =	ssyncset.s32 @!p0 $0xFFFFF086;
	s6 =	sadd.s32 @!p0 s3, s7;
	s7 =	simm.s32 @!p0 $0x108  }
0x21: {  	s3 =	sadd.s32 s3, s9;
	s6 =	sadd.s32 @!p0 $0x88, s6;
	s7 =	simm.s32 @p2 $0x1082  }
0x22: {  	[simem:s7], [sflag:s8] =	dma.local @!p0 [hbm:s6], $0xF7A  }
0x23: {  	s9 =	sor.u32 $0xD0000000, s2;
	s6 =	simm.s32 $0x108;
	_ =	swait.ge @!p0 [sflag:s8], $0x0  }
0x24: {  	s3 =	sadd.s32 $0x88, s3;
	s6 =	simm.s32 @!p1 $0x1082;
	[sflag:s4] =	ssyncset.s32 $0xFFFFF086  }
0x25: {  	[simem:s6], [sflag:s4] =	dma.local [hbm:s3], $0xF7A  }
0x26: {  	[smem:$0x3F99] =	sst s1;
	(tag) =	ssettag s2;
	_ =	strace s9  }
0x27: {  	s1 =	sld [smem:$0x3FA9]  }
0x28: {  	s2 =	sld [smem:$0x3FAA]  }
0x29: {  	s4 =	sld [smem:$0x3FAC]  }
0x2a: {  	p0 =	seq.s32 s5, $0x0;
	s5 =	sld [smem:$0x3FAD]  }
0x2b: {  	s6 =	sld [smem:$0x3FAE]  }
0x2c: {  	s7 =	sld [smem:$0x3FAF]  }
0x2d: {  	s3 =	simm.s32 $0x108;
	s8 =	sld [smem:$0x3FB0]  }
0x2e: {  	s3 =	simm.s32 @!p0 $0x1082;
	s9 =	sld [smem:$0x3FB1]  }
0x2f: {  	lr =	sadd.s32 s0, s3;
	s0 =	sld [smem:$0x3FA8]  }
0x30: {  	s3 =	sld [smem:$0x3FAB]  }
0x31: {  	[smem:$0x3FB4] =	sst s10  }
0x32: {  	s10 =	sld [smem:$0x3FB2];
	_ =	sdelay $0x3  }
0x33: {  	p0 =	seq.s32 s10, $0x1;
	s10 =	sld [smem:$0x3FB4];
	_ =	sdelay $0x3  }
0x34: {  	[smem:$0x3FB4] =	sst s10  }
0x35: {  	s10 =	sld [smem:$0x3FB3];
	_ =	sdelay $0x3  }
0x36: {  	p1 =	seq.s32 s10, $0x1;
	s10 =	sld [smem:$0x3FB4];
	_ =	sdelay $0x3  }
0x37: {  	[smem:$0x3FB4] =	sst s10  }
0x38: {  	s10 =	sld [smem:$0x3FB5]  }
0x39: {  	_ = 	snop;
	(pc) =	sbr.ind lr, $3  }
0x3a: {  	_ = 	snop  }
0x3b: {  	_ = 	snop  }
0x3c: {  	p2 =	seq.s32 s10, $0x1;
	s10 =	sld [smem:$0x3FB4]  }
0x3d: {  	_ =	shalt  }
0x3e: {  	_ =	shalt  }
0x3f: {  	_ =	shalt  }
0x40: {  	_ =	shalt  }
0x41: {  	_ =	shalt  }
0x42: {  	_ =	shalt  }
0x43: {  	_ =	shalt  }
0x44: {  	_ =	shalt  }
0x45: {  	_ =	shalt  }
0x46: {  	_ =	shalt  }
0x47: {  	_ =	shalt  }
0x48: {  	_ =	shalt  }
0x49: {  	_ =	shalt  }
0x4a: {  	_ =	shalt  }
0x4b: {  	_ =	shalt  }
0x4c: {  	_ =	shalt  }
0x4d: {  	_ =	shalt  }
0x4e: {  	_ =	shalt  }
0x4f: {  	_ =	shalt  }
0x50: {  	_ =	shalt  }
0x51: {  	_ =	shalt  }
0x52: {  	_ =	shalt  }
0x53: {  	_ =	shalt  }
0x54: {  	_ =	shalt  }
0x55: {  	_ =	shalt  }
0x56: {  	_ =	shalt  }
0x57: {  	_ =	shalt  }
0x58: {  	_ =	shalt  }
0x59: {  	_ =	shalt  }
0x5a: {  	_ =	shalt  }
0x5b: {  	_ =	shalt  }
0x5c: {  	_ =	shalt  }
0x5d: {  	_ =	shalt  }
0x5e: {  	_ =	shalt  }
0x5f: {  	_ =	shalt  }
0x60: {  	_ =	shalt  }
0x61: {  	_ =	shalt  }
0x62: {  	_ =	shalt  }
0x63: {  	_ =	shalt  }
0x64: {  	_ =	shalt  }
0x65: {  	_ =	shalt  }
0x66: {  	_ =	shalt  }
0x67: {  	_ =	shalt  }
0x68: {  	_ =	shalt  }
0x69: {  	_ =	shalt  }
0x6a: {  	_ =	shalt  }
0x6b: {  	_ =	shalt  }
0x6c: {  	_ =	shalt  }
0x6d: {  	_ =	shalt  }
0x6e: {  	_ =	shalt  }
0x6f: {  	_ =	shalt  }
0x70: {  	_ =	shalt  }
0x71: {  	_ =	shalt  }
0x72: {  	_ =	shalt  }
0x73: {  	_ =	shalt  }
0x74: {  	_ =	shalt  }
0x75: {  	_ =	shalt  }
0x76: {  	_ =	shalt  }
0x77: {  	_ =	shalt  }
0x78: {  	_ =	shalt  }
0x79: {  	_ =	shalt  }
0x7a: {  	_ =	shalt  }
0x7b: {  	_ =	shalt  }
0x7c: {  	_ =	shalt  }
0x7d: {  	_ =	shalt  }
0x7e: {  	_ =	shalt  }
0x7f: {  	_ =	shalt  }
0x80: {  	_ =	shalt  }
0x81: {  	_ =	shalt  }
0x82: {  	_ =	shalt  }
0x83: {  	_ =	shalt  }
0x84: {  	_ =	shalt  }
0x85: {  	_ =	shalt  }
0x86: {  	_ =	shalt  }
0x87: {  	_ =	shalt  }
.Lfunc_end0:
.L_simem_size_0:
called_computation.2_lowered:
.L_overlay_start_0:
0x88: {  	s2 =	sld [smem:$0x3FD9]  }
0x89: {  	s3 =	sld [smem:$0x3FFE];
	_ =	sdelay $0x1  }
0x8a: {  	s1 =	srdreg.scid  }
0x8b: {  	s0 =	sand.u32 $0x1, s1  }
0x8c: {  	s16 =	sshll.u32 s0, $0xA;
	s2 =	sadd.s32 s3, s2  }
0x8d: {  	s2 =	sadd.s32 s2, s16  }
0x8e: {  	[smem:$0x3FC0] =	sst s2  }
0x8f: {  	_ = 	snop  }
0x90: {  	(tm) =	ssettm $0x1  }
0x91: {  	s17 =	sld [smem:$0x3FFB];
	_ =	sdelay $0x3  }
0x92: {  	_ =	strace s17  }
0x93: {  	s2 =	sld [smem:$0x3FFC];
	_ =	sdelay $0x3  }
0x94: {  	_ =	strace s2  }
0x95: {  	s2 =	sld [smem:$0x3FFD];
	_ =	sdelay $0x3  }
0x96: {  	_ =	strace s2  }
0x97: {  	_ =	strace $0x8FFFFFFF  }
0x98: {  	s18 =	sld [smem:$0x3FDB];
	_ =	sdelay $0x1  }
0x99: {  	s19 =	simm.s32 $_scs_section_size  }
0x9a: {  	s4 =	simm.s32 $_size__tile_overlayer_lowered;
	s5 =	simm.s32 $_tile_overlayer_lowered  }
0x9b: {  	s22 =	simm.s32 $0x1BFF;
	s21 =	sshll.u32 s5, $0x1;
	s2 =	sadd.s32 s19, s18  }
0x9c: {  	s6 =	simm.s32 $0x0;
	s20 =	sshll.u32 s4, $0x1;
	s4 =	sadd.s32 s21, s2  }
0x9d: {  	[timem:s6], [sflag:s22] =	dma.local [hbm:s4], s20  }
0x9e: {  	_ =	swait.ge [sflag:s22], s20  }
0x9f: {  	s3 =	ssub.s32 $0x0, s20;
	[sflag:s22] =	ssyncset.done $0x0  }
0xa0: {  	[sflag:s22] =	ssyncadd.s32 s3;
	_ =	sdelay $0x1  }
0xa1: {  	s23 =	simm.s32 $0x1B8B  }
0xa2: {  	_ =	swait.ge [sflag:s23], $0x1  }
0xa3: {  	[sflag:s23] =	ssyncset.done $0x0  }
0xa4: {  	s25 =	simm.s32 $0x1B8E;
	s24 =	sld [smem:$0x3FFE];
	[sflag:s23] =	ssyncadd.s32 $0xFFFFFFFF  }
0xa5: {  	s26 =	simm.s32 $execute0_lowered;
	[smem:$0x3FD2] =	sst s25  }
0xa6: {  	s4 =	sshll.u32 s26, $0x1;
	_ =	strace $0x8000004C;
	[dreg:$0x1] =	wrdreg $0xFFFFFFFF  }
0xa7: {  	s28 =	simm.s32 $_size_execute0_lowered;
	s2 =	sadd.s32 s2, s4;
	[dreg:$0x0] =	wrdreg $0x0  }
0xa8: {  	s4 =	sshll.u32 s28, $0x1;
	[dreg:$0x2] =	wrdreg s2  }
0xa9: {  	[dreg:$0x3] =	wrdreg s4  }
0xaa: {  	[dreg:$0x4] =	wrdreg $0xC0  }
0xab: {  	_ =	task [dreg:s6], $0x5FFFF  }
0xac: {  	[dreg:$0x1] =	wrdreg $0xFFFFFFFF  }
0xad: {  	[dreg:$0x0] =	wrdreg $0x60  }
0xae: {  	[dreg:$0x2] =	wrdreg s24  }
0xaf: {  	[dreg:$0x3] =	wrdreg $0xFA00  }
0xb0: {  	[dreg:$0x4] =	wrdreg $0x9  }
0xb1: {  	_ =	task.clear_ibuf [dreg:s6], $0x5FFFF;
	_ =	strace $0x9000004C  }
0xb2: {  	s29 =	simm.s32 $0x9;
	_ =	strace $0x8000004E  }
0xb3: {  	_ =	swait.ge [sflag:s29], $0x1  }
0xb4: {  	[sflag:s29] =	ssyncadd.s32 $0xFFFFFFFF  }
0xb5: {  	_ =	strace $0x9000004E  }
0xb6: {  	_ =	sfence  }
0xb7: {  	s30 =	sld [smem:$0x0];
	_ =	sdelay $0x2  }
0xb8: {  	s31 =	sshll.u32 s1, $0xD;
	s1 =	sshrl.u32 s1, $0x2  }
0xb9: {  	s3 =	sand.u32 $0x4000, s31;
	s1 =	sadd.s32 s1, s30  }
0xba: {  	s0 =	sor.u32 s3, s0;
	s1 =	sshll.u32 s1, $0x11  }
0xbb: {  	s0 =	sor.u32 s1, s0  }
0xbc: {  	s0 =	sadd.s32 $0x8F2B, s0  }
0xbd: {  	[sflag:s0] =	ssyncadd.remote.s32 $0x1  }
0xbe: {  	_ =	sfence.sel $0xFFFF  }
0xbf: {  	[dreg:$0x0] =	wrdreg $0xFFFFFFFF;
	(pc) =	sbr.abs _section_cstart, $3  }
0xc0: {  	[dreg:$0x1] =	wrdreg $0xFFFFFFFF  }
0xc1: {  	_ =	task.clear_ibuf [dreg:s6], $0x2FFFF;
	_ =	strace $0x9FFFFFFF  }
0xc2: {  	(tm) =	ssettm $0x7FFFFFFF  }
0xc3: {  	_ =	shalt  }
tec
execute0_lowered:
.L_overlay_start_1:
0x0: {  	(tag) =	ssettag $0x1  }
0x1: {  	s7 =	rddreg [dreg:$0x0]  }
0x2: {  	s1 =	rddreg [dreg:$0x1]  }
0x3: {  	s0 =	rddreg [dreg:$0x2];
	s2 =	simm.s32 $0x0;
	s6 =	srdreg.scid  }
0x4: {  	s11 =	stileid.u32;
	s13 =	simm.s32 $0x1;
	s14 =	simm.s32 $0x5A0  }
0x5: {  	s15 =	simm.s32 $0x2;
	s16 =	simm.s32 $0xA0;
	s17 =	simm.s32 $0xAA0  }
0x6: {  	[smem:$0x7FF] =	sst s2;
	s3 =	sadd.s32 $0x4B600, s7;
	s4 =	sadd.s32 $0x1A800, s7  }
0x7: {  	s5 =	sadd.s32 $0x2000, s7;
	s8 =	sand.u32 $0x1, s6;
	s6 =	sadd.s32 $0x7C400, s7  }
0x8: {  	p0 =	sne.s32 s11, $0x0;
	s9 =	smul.u32 $0x186A0, s8;
	s10 =	ssub.s32 $0x2, s8  }
0x9: {  	_ =	strace $0x8000004D;
	s8 =	sshll.u32 s8, $0x4;
	s12 =	sshrl.u32 s10, $0x1  }
0xa: {  	s31 =	sor.u32 s11, s8;
	s11 =	simm.s32 $0x3;
	s9 =	sadd.s32 s9, s7  }
0xb: {  	s10 =	ssub.s32 s10, s12;
	s7 =	smul.u32 $0xC350, s31;
	s12 =	simm.s32 $0x50  }
0xc: {  	vm0 =	vcmask $0x3F20;
	vm1 =	vmmov $0x7f;
	s8 =	sadd.s32 $0x94C00, s9;
	s9 =	smax.u32 s10, $0x1;
	s10 =	sshrl.u32 @!p0 s1, $0x3  }
.LBB2_1:
0xd: {  	s18 =	simm.s32 @!p0 $0x1C03  }
0xe: {  	[spmem:s10], [sflag:s18] =	dma.local @!p0 [hbm:s6], $0x186A0  }
0xf: {  	s18 =	simm.s32 @!p0 $0x3  }
0x10: {  	_ =	swait.ge @!p0 [sflag:s18], $0x186A0  }
0x11: {  	[sflag:s18] =	ssyncset.done @!p0 $0x0  }
0x12: {  	[sflag:s18] =	ssyncadd.s32 @!p0 $0xFFFE7960  }
0x13: {  	s18 =	simm.s32 $0x0;
	[bflag:$0x0] =	sbarrier.arrive $0xFFFF  }
.LBB2_2:
0x14: {  	s19 =	smul.u32 $0x50, s18;
	_ =	sdelay $0x1  }
0x15: {  	s19 =	sadd.s32 s7, s19  }
0x16: {  	s19 =	sshrl.u32 s19, $0x3  }
0x17: {  	s21 =	simm.s32 $0x0;
	s20 =	sadd.s32 s3, s19  }
0x18: {  	[tilespmem:s21], [sflag:$0x3] =	stream.linear.gather [hbm4b:s20+s21], $0x50, $0x38;
	[tilespmem:$0xD2F0] =	vst v63  }
0x19: {  	_ =	swait.ge [sflag:s11], $0x50  }
0x1a: {  	[sflag:s11] =	ssyncset.done $0x0  }
0x1b: {  	s19 =	sadd.s32 s4, s19;
	[sflag:s11] =	ssyncadd.s32 $0xFFFFFFB0  }
0x1c: {  	[tilespmem:s12], [sflag:$0x3] =	stream.linear.gather [hbm4b:s19+s21], $0x50, $0x38;
	[tilespmem:$0xD2F0] =	vst v63  }
0x1d: {  	_ =	swait.ge [sflag:s11], $0x50  }
0x1e: {  	[sflag:s11] =	ssyncset.done $0x0  }
0x1f: {  	s28 =	simm.s32 $0xA0;
	[sflag:s11] =	ssyncadd.s32 $0xFFFFFFB0  }
0x20: {  	[tilespmem:s28], [sflag:$0x1] =	stream.indirect.gather [hbm4b:s5+s12], $0x10, s21, s12, $0xb8;
	[tilespmem:$0xD2F0] =	vst v63  }
0x21: {  	s29 =	simm.s32 $0x0;
	_ =	swait.ge [sflag:s13], $0x500  }
0x22: {  	v0 =	vmov s29;
	[sflag:s13] =	ssyncset.done $0x0  }
0x23: {  	v1 =	vor.u32 $0x8, v0;
	[sflag:s13] =	ssyncadd.s32 $0xFFFFFB00  }
0x24: {  	v0 =	vor.u32 $0x7, v0;
	[tilespmem:s14], [sflag:$0x2] =	stream.indirect.gather [hbm4b:s5+s12], $0x10, s12, s12, $0xb8;
	[tilespmem:$0xD2F0] =	vst v63  }
0x25: {  	_ =	swait.ge [sflag:s15], $0x500  }
0x26: {  	[sflag:s15] =	ssyncset.done $0x0  }
0x27: {  	[sflag:s15] =	ssyncadd.s32 $0xFFFFFB00  }
0x28: {  	v1 =	vld.idx.msk [tilespmem:v1+s14+$0x0], $0xffff  }
0x29: {  	v0 =	vld.idx.msk [tilespmem:v0+s16+$0x0], $0xffff;
	_ =	sdelay $0x4  }
0x2a: {  	v0 =	vadd.f32 v1, v0;
	_ =	sdelay $0x1  }
0x2b: {  	v1 =	vmul.f32 $2.000000030e-01, v0  }
0x2c: {  	vm2 =	vgt.f32 v0, $0.0e+00  }
0x2d: {  	v0 =	vsel vm2, v0, v1  }
0x2e: {  	v0 =	vmul.f32 $1.442695020e+00, v0;
	_ =	sdelay $0x1  }
0x2f: {  	(erf) = vpow2.f32 v0;
	_ =	sdelay $0x4  }
0x30: {  	v0 =	vld [tilespmem:s28+$0x0];
	_ =	sdelay $0x1  }
0x31: {  	s30 =	simm.s32 $0x10  }
0x32: {  	v1 =	vmov s30  }
0x33: {  	v2 =	vor.u32 $0x8, v1;
	v3 =	vpop (erf)  }
0x34: {  	v1 =	vor.u32 $0x7, v1;
	v0 =	vmul.f32 v3, v0  }
0x35: {  	v3 =	vsel vm0, $0x0, v3  }
0x36: {  	s19 =	simm.s32 $0xAA0;
	v0 =	vsel vm1, v0, v3  }
0x37: {  	[tilespmem:s19+$0x0] =	vst v0  }
0x38: {  	v0 =	vld.idx.msk [tilespmem:v2+s14+$0x0], $0xffff  }
0x39: {  	v1 =	vld.idx.msk [tilespmem:v1+s16+$0x0], $0xffff;
	_ =	sdelay $0x4  }
0x3a: {  	v0 =	vadd.f32 v0, v1;
	_ =	sdelay $0x1  }
0x3b: {  	v1 =	vmul.f32 $2.000000030e-01, v0  }
0x3c: {  	vm2 =	vgt.f32 v0, $0.0e+00  }
0x3d: {  	v0 =	vsel vm2, v0, v1  }
0x3e: {  	v0 =	vmul.f32 $1.442695020e+00, v0;
	_ =	sdelay $0x1  }
0x3f: {  	(erf) = vpow2.f32 v0;
	_ =	sdelay $0x3  }
0x40: {  	s20 =	simm.s32 $0xB0  }
0x41: {  	v0 =	vld [tilespmem:s20+$0x0];
	_ =	sdelay $0x1  }
0x42: {  	s31 =	simm.s32 $0x20  }
0x43: {  	s21 =	simm.s32 $0x3;
	v1 =	vmov s31  }
.LBB2_3:
0x44: {  	p1 =	sne.s32 s21, $0x4F;
	v2 =	vor.u32 $0x8, v1;
	v3 =	vpop (erf)  }
0x45: {  	v1 =	vor.u32 $0x7, v1;
	v0 =	vmul.f32 v3, v0  }
0x46: {  	v3 =	vsel vm0, $0x0, v3  }
0x47: {  	s19 =	sadd.s32 $0x10, s19;
	v0 =	vsel vm1, v0, v3  }
0x48: {  	[tilespmem:s19+$0x0] =	vst v0  }
0x49: {  	v0 =	vld.idx.msk [tilespmem:v2+s14+$0x0], $0xffff  }
0x4a: {  	v1 =	vld.idx.msk [tilespmem:v1+s16+$0x0], $0xffff;
	_ =	sdelay $0x5  }
0x4b: {  	v0 =	vadd.f32 v0, v1;
	_ =	sdelay $0x1  }
0x4c: {  	v1 =	vmul.f32 $2.000000030e-01, v0  }
0x4d: {  	vm2 =	vgt.f32 v0, $0.0e+00  }
0x4e: {  	v0 =	vsel vm2, v0, v1  }
0x4f: {  	v0 =	vmul.f32 $1.442695020e+00, v0;
	_ =	sdelay $0x1  }
0x50: {  	(erf) = vpow2.f32 v0;
	_ =	sdelay $0x3  }
.Ltmp0:
0x51: {  	s20 =	sadd.s32 $0x10, s20;
	(pc) =	sbr.rel @p1 .LBB2_3-.Ltmp0, $3  }
0x52: {  	v0 =	vld [tilespmem:s20+$0x0];
	_ =	sdelay $0x1  }
0x53: {  	s22 =	sshll.u32 s21, $0x4  }
0x54: {  	s21 =	sadd.s32 $0x1, s21;
	v1 =	vmov s22  }
0x55: {  	v2 =	vor.u32 $0x8, v1;
	v3 =	vpop (erf)  }
0x56: {  	v61 =	vor.u32 $0x7, v1;
	v0 =	vmul.f32 v3, v0  }
0x57: {  	v3 =	vsel vm0, $0x0, v3  }
0x58: {  	s19 =	sadd.s32 $0x10, s19;
	v0 =	vsel vm1, v0, v3  }
0x59: {  	[tilespmem:s19+$0x0] =	vst v0  }
0x5a: {  	v0 =	vld.idx.msk [tilespmem:v2+s14+$0x0], $0xffff  }
0x5b: {  	v1 =	vld.idx.msk [tilespmem:v61+s16+$0x0], $0xffff;
	_ =	sdelay $0x4  }
0x5c: {  	v0 =	vadd.f32 v0, v1;
	_ =	sdelay $0x1  }
0x5d: {  	v1 =	vmul.f32 $2.000000030e-01, v0  }
0x5e: {  	vm2 =	vgt.f32 v0, $0.0e+00  }
0x5f: {  	v0 =	vsel vm2, v0, v1  }
0x60: {  	v0 =	vmul.f32 $1.442695020e+00, v0;
	_ =	sdelay $0x1  }
0x61: {  	(erf) = vpow2.f32 v0;
	_ =	sdelay $0x3  }
0x62: {  	s20 =	sadd.s32 $0x10, s20  }
0x63: {  	v62 =	vld [tilespmem:s20+$0x0];
	_ =	sdelay $0x3  }
0x64: {  	v63 =	vpop (erf)  }
0x65: {  	v0 =	vmul.f32 v63, v62  }
0x66: {  	s18 =	sadd.s32 $0x1, s18;
	v1 =	vsel vm0, $0x0, v63  }
0x67: {  	p1 =	sne.s32 s18, $0x271;
	s19 =	sadd.s32 $0x10, s19;
	v0 =	vsel vm1, v0, v1  }
.Ltmp1:
0x68: {  	[tilespmem:s19+$0x0] =	vst v0;
	(pc) =	sbr.rel @p1 .LBB2_2-.Ltmp1, $4  }
0x69: {  	[spmem:s1] =	stream.indirect.scatter.add.f32 [tilespmem:s17], [sflag:$0x3], $0x10, s12, s12, $0xb8;
	[tilespmem:$0xD2F0] =	vst v63  }
0x6a: {  	_ =	swait.ge [sflag:s11], $0x500  }
0x6b: {  	[sflag:s11] =	ssyncset.done $0x0  }
0x6c: {  	[sflag:s11] =	ssyncadd.s32 $0xFFFFFB00  }
0x6d: {  	[bflag:$0x0] =	sbarrier.arrive $0xFFFF;
	s18 =	simm.s32 @!p0 $0x1C03;
	s2 =	sadd.s32 $0x1, s2  }
0x6e: {  	[hbm:s8], [sflag:s18] =	dma.local @!p0 [spmem:s10], $0x186A0  }
0x6f: {  	p1 =	sne.s32 s2, s9  }
.Ltmp2:
0x70: {  	_ = 	snop;
	(pc) =	sbr.rel @p1 .LBB2_1-.Ltmp2, $4  }
0x71: {  	s18 =	simm.s32 @!p0 $0x3  }
0x72: {  	_ =	swait.ge @!p0 [sflag:s18], $0x186A0  }
0x73: {  	[sflag:s18] =	ssyncset.done @!p0 $0x0  }
0x74: {  	[sflag:s18] =	ssyncadd.s32 @!p0 $0xFFFE7960  }
0x75: {  	_ =	sfence.sel $0x180000  }
0x76: {  	[bflag:$0x0] =	sbarrier.arrive $0xFFFF  }
0x77: {  	_ =	strace $0x9000004D  }
0x78: {  	s0 =	sadd.s32 @!p0 $0x100000, s0;
	[bflag:$0x2] =	sbarrier.arrive $0xFFFF  }
0x79: {  	[sflag:s0] =	ssyncadd.tile.s32 @!p0 $0x1;
	_ =	shalt  }
.Lfunc_end2:
_tile_overlayer_lowered:
.L_overlay_start_2:
0x7a: {  	(tag) =	ssettag $0x2  }
0x7b: {  	s0 =	rddreg [dreg:$0x0];
	s2 =	stileid.u32  }
0x7c: {  	s1 =	rddreg [dreg:$0x1];
	p0 =	sne.s32 s2, $0x0  }
0x7d: {  	s3 =	rddreg [dreg:$0x2];
	[bflag:$0x3] =	sbarrier.arrive $0xFFFF;
	s2 =	simm.s32 @!p0 $0x1C03  }
0x7e: {  	[timem:s3], [sflag:s2] =	dma.local @!p0 [hbm:s0], s1  }
0x7f: {  	s0 =	simm.s32 @!p0 $0x3  }
0x80: {  	_ =	swait.ge @!p0 [sflag:s0], s1  }
0x81: {  	s1 =	ssub.s32 @!p0 $0x0, s1;
	[sflag:s0] =	ssyncset.done @!p0 $0x0  }
0x82: {  	[sflag:s0] =	ssyncadd.s32 @!p0 s1  }
0x83: {  	[bflag:$0x3] =	sbarrier.arrive $0xFFFF  }
0x84: {  	_ =	shalt  }

// kernel: kernel.8.cloned.1.call-start
scs
__scs_entry_jumppad:
0x0: {  	(pc) =	sbr.rel $0x88, $3  }
0x1: {  	(tag) =	ssettag $0x0;
	lr =	simm.s32 $0x1  }
0x2: {  	[smem:$0x3F99] =	sst lr;
	_ =	strace $0xD0000000  }
0x3: {  	_ = 	snop  }
0x4: {  	_ = 	snop  }
0x5: {  	_ = 	snop  }
0x6: {  	_ = 	snop  }
0x7: {  	_ = 	snop  }
__scs_overlays_trampoline_lowered:
0x8: {  	[smem:$0x3FA8] =	sst s0  }
0x9: {  	[smem:$0x3FA9] =	sst s1  }
0xa: {  	[smem:$0x3FAA] =	sst s2  }
0xb: {  	[smem:$0x3FAB] =	sst s3  }
0xc: {  	[smem:$0x3FAC] =	sst s4  }
0xd: {  	[smem:$0x3FAD] =	sst s5  }
0xe: {  	[smem:$0x3FAE] =	sst s6  }
0xf: {  	[smem:$0x3FAF] =	sst s7  }
0x10: {  	[smem:$0x3FB0] =	sst s8  }
0x11: {  	[smem:$0x3FB1] =	sst s9;
	s0 =	simm.s32 @!p0 $0x0  }
0x12: {  	s1 =	sld [smem:$0x3F97];
	s0 =	simm.s32 @p0 $0x1  }
0x13: {  	[smem:$0x3FB2] =	sst s0;
	s0 =	simm.s32 @!p1 $0x0  }
0x14: {  	s2 =	sld [smem:$0x3F96];
	s0 =	simm.s32 @p1 $0x1  }
0x15: {  	[smem:$0x3FB3] =	sst s0;
	s0 =	simm.s32 @!p2 $0x0  }
0x16: {  	s3 =	sld [smem:$0x3FDB];
	s0 =	simm.s32 @p2 $0x1  }
0x17: {  	s4 =	simm.s32 $0x1BF5;
	[smem:$0x3FB5] =	sst s0  }
0x18: {  	s0 =	sld [smem:$0x3F98];
	_ =	swait.ge [sflag:s4], $0x0  }
0x19: {  	s7 =	sld [smem:$0x3F99]  }
0x1a: {  	s8 =	sadd.s32 $0xFFFFE003, lr  }
0x1b: {  	s9 =	sadd.s32 $0xFFFFFEF7, lr;
	s5 =	simm.s32 $0xFFFFFFFF;
	p2 =	slt.u32 s8, $0xFFFFF086  }
0x1c: {  	p1 =	slt.u32 s9, $0xF7A;
	s5 =	simm.s32 @!p2 $0x0  }
0x1d: {  	s5 =	simm.s32 @p1 $0x1;
	p0 =	seq.s32 s7, s2  }
0x1e: {  	s7 =	smul.u32 @!p0 $0xF7A, s2;
	p2 =	seq.s32 @!p0 s5, $0x0  }
0x1f: {  	s9 =	smul.u32 $0xF7A, s1;
	s8 =	simm.s32 @!p0 $0x1BF5;
	p2 =	por !p2, p0  }
0x20: {  	[sflag:s8] =	ssyncset.s32 @!p0 $0xFFFFF086;
	s6 =	sadd.s32 @!p0 s3, s7;
	s7 =	simm.s32 @!p0 $0x108  }
0x21: {  	s3 =	sadd.s32 s3, s9;
	s6 =	sadd.s32 @!p0 $0x88, s6;
	s7 =	simm.s32 @p2 $0x1082  }
0x22: {  	[simem:s7], [sflag:s8] =	dma.local @!p0 [hbm:s6], $0xF7A  }
0x23: {  	s9 =	sor.u32 $0xD0000000, s2;
	s6 =	simm.s32 $0x108;
	_ =	swait.ge @!p0 [sflag:s8], $0x0  }
0x24: {  	s3 =	sadd.s32 $0x88, s3;
	s6 =	simm.s32 @!p1 $0x1082;
	[sflag:s4] =	ssyncset.s32 $0xFFFFF086  }
0x25: {  	[simem:s6], [sflag:s4] =	dma.local [hbm:s3], $0xF7A  }
0x26: {  	[smem:$0x3F99] =	sst s1;
	(tag) =	ssettag s2;
	_ =	strace s9  }
0x27: {  	s1 =	sld [smem:$0x3FA9]  }
0x28: {  	s2 =	sld [smem:$0x3FAA]  }
0x29: {  	s4 =	sld [smem:$0x3FAC]  }
0x2a: {  	p0 =	seq.s32 s5, $0x0;
	s5 =	sld [smem:$0x3FAD]  }
0x2b: {  	s6 =	sld [smem:$0x3FAE]  }
0x2c: {  	s7 =	sld [smem:$0x3FAF]  }
0x2d: {  	s3 =	simm.s32 $0x108;
	s8 =	sld [smem:$0x3FB0]  }
0x2e: {  	s3 =	simm.s32 @!p0 $0x1082;
	s9 =	sld [smem:$0x3FB1]  }
0x2f: {  	lr =	sadd.s32 s0, s3;
	s0 =	sld [smem:$0x3FA8]  }
0x30: {  	s3 =	sld [smem:$0x3FAB]  }
0x31: {  	[smem:$0x3FB4] =	sst s10  }
0x32: {  	s10 =	sld [smem:$0x3FB2];
	_ =	sdelay $0x3  }
0x33: {  	p0 =	seq.s32 s10, $0x1;
	s10 =	sld [smem:$0x3FB4];
	_ =	sdelay $0x3  }
0x34: {  	[smem:$0x3FB4] =	sst s10  }
0x35: {  	s10 =	sld [smem:$0x3FB3];
	_ =	sdelay $0x3  }
0x36: {  	p1 =	seq.s32 s10, $0x1;
	s10 =	sld [smem:$0x3FB4];
	_ =	sdelay $0x3  }
0x37: {  	[smem:$0x3FB4] =	sst s10  }
0x38: {  	s10 =	sld [smem:$0x3FB5]  }
0x39: {  	_ = 	snop;
	(pc) =	sbr.ind lr, $3  }
0x3a: {  	_ = 	snop  }
0x3b: {  	_ = 	snop  }
0x3c: {  	p2 =	seq.s32 s10, $0x1;
	s10 =	sld [smem:$0x3FB4]  }
0x3d: {  	_ =	shalt  }
0x3e: {  	_ =	shalt  }
0x3f: {  	_ =	shalt  }
0x40: {  	_ =	shalt  }
0x41: {  	_ =	shalt  }
0x42: {  	_ =	shalt  }
0x43: {  	_ =	shalt  }
0x44: {  	_ =	shalt  }
0x45: {  	_ =	shalt  }
0x46: {  	_ =	shalt  }
0x47: {  	_ =	shalt  }
0x48: {  	_ =	shalt  }
0x49: {  	_ =	shalt  }
0x4a: {  	_ =	shalt  }
0x4b: {  	_ =	shalt  }
0x4c: {  	_ =	shalt  }
0x4d: {  	_ =	shalt  }
0x4e: {  	_ =	shalt  }
0x4f: {  	_ =	shalt  }
0x50: {  	_ =	shalt  }
0x51: {  	_ =	shalt  }
0x52: {  	_ =	shalt  }
0x53: {  	_ =	shalt  }
0x54: {  	_ =	shalt  }
0x55: {  	_ =	shalt  }
0x56: {  	_ =	shalt  }
0x57: {  	_ =	shalt  }
0x58: {  	_ =	shalt  }
0x59: {  	_ =	shalt  }
0x5a: {  	_ =	shalt  }
0x5b: {  	_ =	shalt  }
0x5c: {  	_ =	shalt  }
0x5d: {  	_ =	shalt  }
0x5e: {  	_ =	shalt  }
0x5f: {  	_ =	shalt  }
0x60: {  	_ =	shalt  }
0x61: {  	_ =	shalt  }
0x62: {  	_ =	shalt  }
0x63: {  	_ =	shalt  }
0x64: {  	_ =	shalt  }
0x65: {  	_ =	shalt  }
0x66: {  	_ =	shalt  }
0x67: {  	_ =	shalt  }
0x68: {  	_ =	shalt  }
0x69: {  	_ =	shalt  }
0x6a: {  	_ =	shalt  }
0x6b: {  	_ =	shalt  }
0x6c: {  	_ =	shalt  }
0x6d: {  	_ =	shalt  }
0x6e: {  	_ =	shalt  }
0x6f: {  	_ =	shalt  }
0x70: {  	_ =	shalt  }
0x71: {  	_ =	shalt  }
0x72: {  	_ =	shalt  }
0x73: {  	_ =	shalt  }
0x74: {  	_ =	shalt  }
0x75: {  	_ =	shalt  }
0x76: {  	_ =	shalt  }
0x77: {  	_ =	shalt  }
0x78: {  	_ =	shalt  }
0x79: {  	_ =	shalt  }
0x7a: {  	_ =	shalt  }
0x7b: {  	_ =	shalt  }
0x7c: {  	_ =	shalt  }
0x7d: {  	_ =	shalt  }
0x7e: {  	_ =	shalt  }
0x7f: {  	_ =	shalt  }
0x80: {  	_ =	shalt  }
0x81: {  	_ =	shalt  }
0x82: {  	_ =	shalt  }
0x83: {  	_ =	shalt  }
0x84: {  	_ =	shalt  }
0x85: {  	_ =	shalt  }
0x86: {  	_ =	shalt  }
0x87: {  	_ =	shalt  }
.Lfunc_end0:
.L_simem_size_0:
called_computation_lowered:
.L_overlay_start_0:
0x88: {  	s2 =	sld [smem:$0x3FD9]  }
0x89: {  	s3 =	sld [smem:$0x3FFE];
	_ =	sdelay $0x1  }
0x8a: {  	s1 =	srdreg.scid  }
0x8b: {  	s0 =	sand.u32 $0x1, s1  }
0x8c: {  	s16 =	sshll.u32 s0, $0xA;
	s2 =	sadd.s32 s3, s2  }
0x8d: {  	s2 =	sadd.s32 s2, s16  }
0x8e: {  	[smem:$0x3FC0] =	sst s2  }
0x8f: {  	_ = 	snop  }
0x90: {  	(tm) =	ssettm $0x1  }
0x91: {  	s17 =	sld [smem:$0x3FFB];
	_ =	sdelay $0x3  }
0x92: {  	_ =	strace s17  }
0x93: {  	s2 =	sld [smem:$0x3FFC];
	_ =	sdelay $0x3  }
0x94: {  	_ =	strace s2  }
0x95: {  	s2 =	sld [smem:$0x3FFD];
	_ =	sdelay $0x3  }
0x96: {  	_ =	strace s2  }
0x97: {  	_ =	strace $0x8FFFFFFF  }
0x98: {  	s18 =	sld [smem:$0x3FDB];
	_ =	sdelay $0x1  }
0x99: {  	s19 =	simm.s32 $_scs_section_size  }
0x9a: {  	s4 =	simm.s32 $_size__tile_overlayer_lowered;
	s5 =	simm.s32 $_tile_overlayer_lowered  }
0x9b: {  	s22 =	simm.s32 $0x1BFF;
	s21 =	sshll.u32 s5, $0x1;
	s2 =	sadd.s32 s19, s18  }
0x9c: {  	s6 =	simm.s32 $0x0;
	s20 =	sshll.u32 s4, $0x1;
	s4 =	sadd.s32 s21, s2  }
0x9d: {  	[timem:s6], [sflag:s22] =	dma.local [hbm:s4], s20  }
0x9e: {  	_ =	swait.ge [sflag:s22], s20  }
0x9f: {  	s3 =	ssub.s32 $0x0, s20;
	[sflag:s22] =	ssyncset.done $0x0  }
0xa0: {  	[sflag:s22] =	ssyncadd.s32 s3;
	_ =	sdelay $0x1  }
0xa1: {  	s23 =	simm.s32 $0x1B8B  }
0xa2: {  	_ =	swait.ge [sflag:s23], $0x1  }
0xa3: {  	[sflag:s23] =	ssyncset.done $0x0  }
0xa4: {  	s25 =	simm.s32 $0x1B8E;
	s24 =	sld [smem:$0x3FFE];
	[sflag:s23] =	ssyncadd.s32 $0xFFFFFFFF  }
0xa5: {  	s26 =	simm.s32 $execute0_lowered;
	[smem:$0x3FD2] =	sst s25  }
0xa6: {  	s4 =	sshll.u32 s26, $0x1;
	_ =	strace $0x80000046;
	[dreg:$0x1] =	wrdreg $0xFFFFFFFF  }
0xa7: {  	s28 =	simm.s32 $_size_execute0_lowered;
	s2 =	sadd.s32 s2, s4;
	[dreg:$0x0] =	wrdreg $0x0  }
0xa8: {  	s4 =	sshll.u32 s28, $0x1;
	[dreg:$0x2] =	wrdreg s2  }
0xa9: {  	[dreg:$0x3] =	wrdreg s4  }
0xaa: {  	[dreg:$0x4] =	wrdreg $0xC0  }
0xab: {  	_ =	task [dreg:s6], $0x5FFFF  }
0xac: {  	[dreg:$0x1] =	wrdreg $0xFFFFFFFF  }
0xad: {  	[dreg:$0x0] =	wrdreg $0x60  }
0xae: {  	[dreg:$0x2] =	wrdreg s24  }
0xaf: {  	[dreg:$0x3] =	wrdreg $0xFA00  }
0xb0: {  	[dreg:$0x4] =	wrdreg $0x9  }
0xb1: {  	_ =	task.clear_ibuf [dreg:s6], $0x5FFFF;
	_ =	strace $0x90000046  }
0xb2: {  	s29 =	simm.s32 $0x9;
	_ =	strace $0x80000048  }
0xb3: {  	_ =	swait.ge [sflag:s29], $0x1  }
0xb4: {  	[sflag:s29] =	ssyncadd.s32 $0xFFFFFFFF  }
0xb5: {  	_ =	strace $0x90000048  }
0xb6: {  	_ =	sfence  }
0xb7: {  	s30 =	sld [smem:$0x0];
	_ =	sdelay $0x2  }
0xb8: {  	s31 =	sshll.u32 s1, $0xD;
	s1 =	sshrl.u32 s1, $0x2  }
0xb9: {  	s3 =	sand.u32 $0x4000, s31;
	s1 =	sadd.s32 s1, s30  }
0xba: {  	s0 =	sor.u32 s3, s0;
	s1 =	sshll.u32 s1, $0x11  }
0xbb: {  	s0 =	sor.u32 s1, s0  }
0xbc: {  	s0 =	sadd.s32 $0x8F2B, s0  }
0xbd: {  	[sflag:s0] =	ssyncadd.remote.s32 $0x1  }
0xbe: {  	_ =	sfence.sel $0xFFFF  }
0xbf: {  	[dreg:$0x0] =	wrdreg $0xFFFFFFFF;
	(pc) =	sbr.abs _section_cstart, $3  }
0xc0: {  	[dreg:$0x1] =	wrdreg $0xFFFFFFFF  }
0xc1: {  	_ =	task.clear_ibuf [dreg:s6], $0x2FFFF;
	_ =	strace $0x9FFFFFFF  }
0xc2: {  	(tm) =	ssettm $0x7FFFFFFF  }
0xc3: {  	_ =	shalt  }
tec
execute0_lowered:
.L_overlay_start_1:
0x0: {  	(tag) =	ssettag $0x1  }
0x1: {  	s8 =	rddreg [dreg:$0x0]  }
0x2: {  	s1 =	rddreg [dreg:$0x1]  }
0x3: {  	s0 =	rddreg [dreg:$0x2]  }
0x4: {  	s2 =	simm.s32 $0x0;
	s7 =	srdreg.scid;
	s12 =	stileid.u32  }
0x5: {  	s14 =	simm.s32 $0x1;
	s15 =	simm.s32 $0x5A0;
	s16 =	simm.s32 $0x2  }
0x6: {  	v0 =	vimm.s32 $0xFEDCBA98;
	s17 =	simm.s32 $0xAA0;
	s18 =	simm.s32 $0x0;
	[smem:$0x7FF] =	sst s2  }
0x7: {  	v1 =	vimm.s32 $0x76543210;
	s3 =	sadd.s32 $0x4B600, s8;
	s4 =	sadd.s32 $0x1A800, s8;
	s5 =	sadd.s32 $0x2000, s8;
	v0 =	vunpack.c.l.s4.s8 v0  }
0x8: {  	s6 =	sadd.s32 $0x7C400, s8;
	s9 =	sand.u32 $0x1, s7;
	s7 =	sadd.s32 $0xC5A00, s8;
	v1 =	vunpack.c.l.s4.s8 v1  }
0x9: {  	p0 =	sne.s32 s12, $0x0;
	s10 =	smul.u32 $0x186A0, s9;
	s11 =	ssub.s32 $0x2, s9;
	v0 =	vunpack.c.0.s8.s32 v0  }
0xa: {  	_ =	strace $0x80000047;
	s9 =	sshll.u32 s9, $0x4;
	s13 =	sshrl.u32 s11, $0x1;
	v1 =	vunpack.c.0.s8.s32 v1  }
0xb: {  	s31 =	sor.u32 s12, s9;
	s12 =	simm.s32 $0x3;
	s10 =	sadd.s32 s10, s8;
	v0 =	vand.u32 $0xF, v0  }
0xc: {  	s11 =	ssub.s32 s11, s13;
	s8 =	smul.u32 $0xC350, s31;
	s13 =	simm.s32 $0x50;
	v0 =	vcombine.low v0, v1  }
0xd: {  	s9 =	sadd.s32 $0x94C00, s10;
	s10 =	smax.u32 s11, $0x1;
	s11 =	sshrl.u32 @!p0 s1, $0x3  }
.LBB2_1:
0xe: {  	s19 =	simm.s32 @!p0 $0x1C03  }
0xf: {  	[spmem:s11], [sflag:s19] =	dma.local @!p0 [hbm:s6], $0x186A0  }
0x10: {  	s19 =	simm.s32 @!p0 $0x3  }
0x11: {  	_ =	swait.ge @!p0 [sflag:s19], $0x186A0  }
0x12: {  	[sflag:s19] =	ssyncset.done @!p0 $0x0  }
0x13: {  	[sflag:s19] =	ssyncadd.s32 @!p0 $0xFFFE7960  }
0x14: {  	s19 =	simm.s32 $0x0;
	[bflag:$0x0] =	sbarrier.arrive $0xFFFF  }
.LBB2_2:
0x15: {  	s20 =	smul.u32 $0x50, s19;
	_ =	sdelay $0x1  }
0x16: {  	s20 =	sadd.s32 s8, s20  }
0x17: {  	s21 =	sshrl.u32 s20, $0x3  }
0x18: {  	s23 =	simm.s32 $0x0;
	s22 =	sadd.s32 s3, s21  }
0x19: {  	[tilespmem:s23], [sflag:$0x3] =	stream.linear.gather [hbm4b:s22+s23], $0x50, $0x38;
	[tilespmem:$0xD2F0] =	vst v63  }
0x1a: {  	_ =	swait.ge [sflag:s12], $0x50  }
0x1b: {  	[sflag:s12] =	ssyncset.done $0x0  }
0x1c: {  	s21 =	sadd.s32 s4, s21;
	[sflag:s12] =	ssyncadd.s32 $0xFFFFFFB0  }
0x1d: {  	[tilespmem:s13], [sflag:$0x3] =	stream.linear.gather [hbm4b:s21+s23], $0x50, $0x38;
	[tilespmem:$0xD2F0] =	vst v63  }
0x1e: {  	_ =	swait.ge [sflag:s12], $0x50  }
0x1f: {  	[sflag:s12] =	ssyncset.done $0x0  }
0x20: {  	s29 =	simm.s32 $0xA0;
	[sflag:s12] =	ssyncadd.s32 $0xFFFFFFB0  }
0x21: {  	[tilespmem:s29], [sflag:$0x1] =	stream.indirect.gather [hbm4b:s5+s13], $0x10, s23, s13, $0xb8;
	[tilespmem:$0xD2F0] =	vst v63  }
0x22: {  	_ =	swait.ge [sflag:s14], $0x500  }
0x23: {  	s30 =	simm.s32 $0x0;
	[sflag:s14] =	ssyncset.done $0x0  }
0x24: {  	v1 =	vor.u32 s30, v0;
	[sflag:s14] =	ssyncadd.s32 $0xFFFFFB00  }
0x25: {  	[tilespmem:s15], [sflag:$0x2] =	stream.indirect.gather [hbm4b:s5+s13], $0x10, s13, s13, $0xb8;
	[tilespmem:$0xD2F0] =	vst v63  }
0x26: {  	_ =	swait.ge [sflag:s16], $0x500  }
0x27: {  	[sflag:s16] =	ssyncset.done $0x0  }
0x28: {  	[sflag:s16] =	ssyncadd.s32 $0xFFFFFB00  }
0x29: {  	v1 =	vld.idx.msk [tilespmem:v1+s15+$0x0], $0xffff  }
0x2a: {  	v2 =	vld [tilespmem:s29+$0x0];
	_ =	sdelay $0x4  }
0x2b: {  	v1 =	vadd.f32 v1, v2;
	_ =	sdelay $0x1  }
0x2c: {  	v2 =	vmul.f32 $2.000000030e-01, v1  }
0x2d: {  	vm0 =	vgt.f32 v1, $0.0e+00  }
0x2e: {  	v1 =	vsel vm0, v1, v2  }
0x2f: {  	v1 =	vmul.f32 $1.442695020e+00, v1;
	_ =	sdelay $0x1  }
0x30: {  	(erf) = vpow2.f32 v1;
	_ =	sdelay $0x4  }
0x31: {  	s31 =	simm.s32 $0x10  }
0x32: {  	v1 =	vor.u32 s31, v0;
	_ =	sdelay $0x2  }
0x33: {  	s21 =	simm.s32 $0xAA0;
	v2 =	vpop (erf)  }
0x34: {  	[tilespmem:s21+$0x0] =	vst v2  }
0x35: {  	s22 =	simm.s32 $0xB0;
	v1 =	vld.idx.msk [tilespmem:v1+s15+$0x0], $0xffff  }
0x36: {  	v2 =	vld [tilespmem:s22+$0x0];
	_ =	sdelay $0x4  }
0x37: {  	v1 =	vadd.f32 v1, v2;
	_ =	sdelay $0x1  }
0x38: {  	v2 =	vmul.f32 $2.000000030e-01, v1  }
0x39: {  	vm15 =	vgt.f32 v1, $0.0e+00  }
0x3a: {  	v1 =	vsel vm15, v1, v2  }
0x3b: {  	v1 =	vmul.f32 $1.442695020e+00, v1;
	_ =	sdelay $0x1  }
0x3c: {  	(erf) = vpow2.f32 v1;
	_ =	sdelay $0x4  }
0x3d: {  	s24 =	simm.s32 $0x20;
	s23 =	simm.s32 $0x3  }
.LBB2_3:
0x3e: {  	p1 =	sne.s32 s23, $0x4F;
	v1 =	vor.u32 s24, v0;
	_ =	sdelay $0x2  }
0x3f: {  	s21 =	sadd.s32 $0x10, s21;
	v2 =	vpop (erf)  }
0x40: {  	[tilespmem:s21+$0x0] =	vst v2  }
0x41: {  	s22 =	sadd.s32 $0x10, s22;
	v1 =	vld.idx.msk [tilespmem:v1+s15+$0x0], $0xffff  }
0x42: {  	v2 =	vld [tilespmem:s22+$0x0];
	_ =	sdelay $0x4  }
0x43: {  	v1 =	vadd.f32 v1, v2;
	_ =	sdelay $0x1  }
0x44: {  	v2 =	vmul.f32 $2.000000030e-01, v1  }
0x45: {  	vm0 =	vgt.f32 v1, $0.0e+00  }
0x46: {  	v1 =	vsel vm0, v1, v2  }
0x47: {  	v1 =	vmul.f32 $1.442695020e+00, v1;
	_ =	sdelay $0x1  }
0x48: {  	(erf) = vpow2.f32 v1  }
.Ltmp0:
0x49: {  	(pc) =	sbr.rel @p1 .LBB2_3-.Ltmp0, $2  }
0x4a: {  	_ =	sdelay $0x2  }
0x4b: {  	s24 =	sshll.u32 s23, $0x4;
	s23 =	sadd.s32 $0x1, s23  }
0x4c: {  	v1 =	vor.u32 s24, v0;
	_ =	sdelay $0x2  }
0x4d: {  	s21 =	sadd.s32 $0x10, s21;
	v2 =	vpop (erf)  }
0x4e: {  	[tilespmem:s21+$0x0] =	vst v2  }
0x4f: {  	s22 =	sadd.s32 $0x10, s22;
	v1 =	vld.idx.msk [tilespmem:v1+s15+$0x0], $0xffff  }
0x50: {  	v2 =	vld [tilespmem:s22+$0x0];
	_ =	sdelay $0x4  }
0x51: {  	v1 =	vadd.f32 v1, v2;
	_ =	sdelay $0x1  }
0x52: {  	v2 =	vmul.f32 $2.000000030e-01, v1  }
0x53: {  	vm0 =	vgt.f32 v1, $0.0e+00  }
0x54: {  	v1 =	vsel vm0, v1, v2  }
0x55: {  	v1 =	vmul.f32 $1.442695020e+00, v1;
	_ =	sdelay $0x1  }
0x56: {  	(erf) = vpow2.f32 v1;
	_ =	sdelay $0x8  }
0x57: {  	s21 =	sadd.s32 $0x10, s21;
	v1 =	vpop (erf)  }
0x58: {  	[tilespmem:s21+$0x0] =	vst v1  }
0x59: {  	[spmem:s1] =	stream.indirect.scatter.add.f32 [tilespmem:s17], [sflag:$0x3], $0x10, s13, s13, $0xb8;
	[tilespmem:$0xD2F0] =	vst v63  }
0x5a: {  	s19 =	sadd.s32 $0x1, s19;
	_ =	swait.ge [sflag:s12], $0x500  }
0x5b: {  	s20 =	sshll.u32 s20, $0x1;
	p1 =	sne.s32 s19, $0x271;
	[sflag:s12] =	ssyncset.done $0x0  }
.Ltmp1:
0x5c: {  	s20 =	sadd.s32 s7, s20;
	[sflag:s12] =	ssyncadd.s32 $0xFFFFFB00;
	(pc) =	sbr.rel @p1 .LBB2_2-.Ltmp1, $4  }
0x5d: {  	[hbm4b:s20+s2] =	stream.linear.scatter [tilespmem:s17], [sflag:$0x3], $0x500, $0x38;
	[tilespmem:$0xD2F0] =	vst v63  }
0x5e: {  	_ =	swait.ge [sflag:s12], $0x500  }
0x5f: {  	[sflag:s12] =	ssyncset.done $0x0  }
0x60: {  	[sflag:s12] =	ssyncadd.s32 $0xFFFFFB00  }
0x61: {  	[bflag:$0x0] =	sbarrier.arrive $0xFFFF;
	s19 =	simm.s32 @!p0 $0x1C03;
	s18 =	sadd.s32 $0x1, s18  }
0x62: {  	[hbm:s9], [sflag:s19] =	dma.local @!p0 [spmem:s11], $0x186A0  }
0x63: {  	p1 =	sne.s32 s18, s10  }
.Ltmp2:
0x64: {  	_ = 	snop;
	(pc) =	sbr.rel @p1 .LBB2_1-.Ltmp2, $4  }
0x65: {  	s19 =	simm.s32 @!p0 $0x3  }
0x66: {  	_ =	swait.ge @!p0 [sflag:s19], $0x186A0  }
0x67: {  	[sflag:s19] =	ssyncset.done @!p0 $0x0  }
0x68: {  	[sflag:s19] =	ssyncadd.s32 @!p0 $0xFFFE7960  }
0x69: {  	_ =	sfence.sel $0x180000  }
0x6a: {  	[bflag:$0x0] =	sbarrier.arrive $0xFFFF  }
0x6b: {  	_ =	strace $0x90000047  }
0x6c: {  	s0 =	sadd.s32 @!p0 $0x100000, s0;
	[bflag:$0x2] =	sbarrier.arrive $0xFFFF  }
0x6d: {  	[sflag:s0] =	ssyncadd.tile.s32 @!p0 $0x1;
	_ =	shalt  }
.Lfunc_end2:
_tile_overlayer_lowered:
.L_overlay_start_2:
0x6e: {  	(tag) =	ssettag $0x2  }
0x6f: {  	s0 =	rddreg [dreg:$0x0];
	s2 =	stileid.u32  }
0x70: {  	s1 =	rddreg [dreg:$0x1];
	p0 =	sne.s32 s2, $0x0  }
0x71: {  	s3 =	rddreg [dreg:$0x2];
	[bflag:$0x3] =	sbarrier.arrive $0xFFFF;
	s2 =	simm.s32 @!p0 $0x1C03  }
0x72: {  	[timem:s3], [sflag:s2] =	dma.local @!p0 [hbm:s0], s1  }
0x73: {  	s0 =	simm.s32 @!p0 $0x3  }
0x74: {  	_ =	swait.ge @!p0 [sflag:s0], s1  }
0x75: {  	s1 =	ssub.s32 @!p0 $0x0, s1;
	[sflag:s0] =	ssyncset.done @!p0 $0x0  }
0x76: {  	[sflag:s0] =	ssyncadd.s32 @!p0 s1  }
0x77: {  	[bflag:$0x3] =	sbarrier.arrive $0xFFFF  }
0x78: {  	_ =	shalt  }

</sc_bundles>
